<compile_context>
chip_gen: v7x
topology: tpu7x:2x2x1
jax: 0.10.2.dev20260603
libtpu: 0.0.44.dev20260713+nightly
codegen_flags: <defaults>
</compile_context>

<pallas_src>
import functools

import jax
import jax.numpy as jnp
from jax import lax
from jax.experimental import pallas as pl
from jax.experimental.pallas import tpu as pltpu
from jax.experimental.pallas import tpu_sc as plsc

EMBED_DIM = 1024
BATCH = 4
SEQ = 8192

NC = 2
NS = 16
NW = NC * NS

B_TOTAL = BATCH * SEQ
PER_W = B_TOTAL // NW
CHUNK = 8
NCHUNK = PER_W // CHUNK
NBUF = 8
AHEAD = 5
NG = NCHUNK // NBUF

_mesh = plsc.VectorSubcoreMesh(core_axis_name="c", subcore_axis_name="s")


@functools.partial(
    pl.kernel,
    out_type=jax.ShapeDtypeStruct((B_TOTAL, EMBED_DIM), jnp.float32),
    mesh=_mesh,
    scratch_types=[
        pltpu.VMEM((PER_W,), jnp.int32),
        [pltpu.VMEM((CHUNK, EMBED_DIM), jnp.float32) for _ in range(NBUF)],
        [pltpu.SemaphoreType.DMA for _ in range(NBUF)],
        [pltpu.SemaphoreType.DMA for _ in range(NBUF)],
    ],
)
def _gather_kernel(table_hbm, idx_hbm, out_hbm, idx_v, rows, gsem, wsem):
    wid = lax.axis_index("s") * NC + lax.axis_index("c")
    base = wid * PER_W
    pltpu.sync_copy(
        idx_hbm.at[wid // (SEQ // PER_W),
                   pl.ds((wid % (SEQ // PER_W)) * PER_W, PER_W)], idx_v)

    def start_gather(j, b):
        pltpu.async_copy(table_hbm.at[idx_v.at[pl.ds(j * CHUNK, CHUNK)]],
                         rows[b], gsem[b])

    def wait_gather(b):
        pltpu.make_async_copy(table_hbm.at[pl.ds(0, CHUNK)], rows[b],
                              gsem[b]).wait()

    def start_write(j, b):
        pltpu.async_copy(rows[b], out_hbm.at[pl.ds(base + j * CHUNK, CHUNK)],
                         wsem[b])

    def wait_write(b):
        pltpu.make_async_copy(rows[b], out_hbm.at[pl.ds(base, CHUNK)],
                              wsem[b]).wait()

    for k in range(AHEAD):
        start_gather(k, k)

    def group(g, carry):
        for k in range(NBUF):
            j = g * NBUF + k
            b = k
            bn = (k + AHEAD) % NBUF
            wait_gather(b)
            start_write(j, b)
            jn = j + AHEAD
            if k < NBUF - AHEAD:
                @pl.when(j >= NBUF - AHEAD)
                def _():
                    wait_write(bn)
            else:
                wait_write(bn)

            @pl.when(jn < NCHUNK)
            def _():
                start_gather(jn, bn)
        return carry

    lax.fori_loop(0, NG, group, 0)
    for j in range(NCHUNK - (NBUF - AHEAD), NCHUNK):
        wait_write(j % NBUF)


def kernel(input_pos_tensors, table):
    out = _gather_kernel(table, input_pos_tensors.astype(jnp.int32))
    return jnp.reshape(out, (BATCH, SEQ, EMBED_DIM))

# --- scband reference (transcript-rebuilt; emitter-appended) ---
"""Pipeline reference for scband-sinusord-position-embedding-32452772888936 (READ-ONLY COPY).

The authoritative reference and input builder live on the scoring server;
editing this copy changes nothing except your own understanding.
"""

import jax, jax.numpy as jnp
import numpy as np

MAX_LEN = 8192
EMBED_DIM = 1024
BATCH = 4
SEQ = 8192

def get_sinusoid_encoding_table(n_position, d_hid, padding_idx=None):
    pos = np.arange(n_position, dtype=np.float64)[:, None]
    i = np.arange(d_hid, dtype=np.float64)[None, :]
    angle = pos / np.power(10000.0, 2.0 * (i // 2) / d_hid)
    table = np.zeros((n_position, d_hid), dtype=np.float32)
    table[:, 0::2] = np.sin(angle[:, 0::2])
    table[:, 1::2] = np.cos(angle[:, 1::2])
    if padding_idx is not None:
        table[padding_idx] = 0.0
    return table

def setup_inputs(seed: int = 0) -> dict:
    key = jax.random.key(seed)
    k_idx, _ = jax.random.split(key)
    input_pos_tensors = jax.random.randint(k_idx, (BATCH, SEQ), 0, MAX_LEN, dtype=jnp.int64) if jax.config.read('jax_enable_x64') else jax.random.randint(k_idx, (BATCH, SEQ), 0, MAX_LEN, dtype=jnp.int32)
    table = jnp.asarray(get_sinusoid_encoding_table(MAX_LEN, EMBED_DIM, padding_idx=0))
    return {"input_pos_tensors": input_pos_tensors, "table": table}

def reference(input_pos_tensors, table):
    # nn.Embedding lookup on the frozen sinusoid table
    return jnp.take(table, input_pos_tensors, axis=0)

if __name__ == "__main__":
    import jax
    _d = setup_inputs()
    print(jax.jit(kernel)(*tuple(_d.values())))

</pallas_src>

<mosaic_0001>
#map = affine_map<(d0, d1) -> (0, 0)>
module attributes {stable_mosaic.version = 14 : i64} {
  func.func @_gather_kernel(%arg0: i32, %arg1: i32, %arg2: memref<8192x1024xf32, #tpu.memory_space<hbm>>, %arg3: memref<4x8192xi32, #tpu.memory_space<hbm>>, %arg4: memref<32768x1024xf32, #tpu.memory_space<hbm>>, %arg5: memref<1024xi32, #tpu.memory_space<vmem>>, %arg6: memref<8x1024xf32, #tpu.memory_space<vmem>>, %arg7: memref<8x1024xf32, #tpu.memory_space<vmem>>, %arg8: memref<8x1024xf32, #tpu.memory_space<vmem>>, %arg9: memref<8x1024xf32, #tpu.memory_space<vmem>>, %arg10: memref<8x1024xf32, #tpu.memory_space<vmem>>, %arg11: memref<8x1024xf32, #tpu.memory_space<vmem>>, %arg12: memref<8x1024xf32, #tpu.memory_space<vmem>>, %arg13: memref<8x1024xf32, #tpu.memory_space<vmem>>, %arg14: memref<!tpu.dma_semaphore, #tpu.memory_space<semaphore_mem>>, %arg15: memref<!tpu.dma_semaphore, #tpu.memory_space<semaphore_mem>>, %arg16: memref<!tpu.dma_semaphore, #tpu.memory_space<semaphore_mem>>, %arg17: memref<!tpu.dma_semaphore, #tpu.memory_space<semaphore_mem>>, %arg18: memref<!tpu.dma_semaphore, #tpu.memory_space<semaphore_mem>>, %arg19: memref<!tpu.dma_semaphore, #tpu.memory_space<semaphore_mem>>, %arg20: memref<!tpu.dma_semaphore, #tpu.memory_space<semaphore_mem>>, %arg21: memref<!tpu.dma_semaphore, #tpu.memory_space<semaphore_mem>>, %arg22: memref<!tpu.dma_semaphore, #tpu.memory_space<semaphore_mem>>, %arg23: memref<!tpu.dma_semaphore, #tpu.memory_space<semaphore_mem>>, %arg24: memref<!tpu.dma_semaphore, #tpu.memory_space<semaphore_mem>>, %arg25: memref<!tpu.dma_semaphore, #tpu.memory_space<semaphore_mem>>, %arg26: memref<!tpu.dma_semaphore, #tpu.memory_space<semaphore_mem>>, %arg27: memref<!tpu.dma_semaphore, #tpu.memory_space<semaphore_mem>>, %arg28: memref<!tpu.dma_semaphore, #tpu.memory_space<semaphore_mem>>, %arg29: memref<!tpu.dma_semaphore, #tpu.memory_space<semaphore_mem>>) attributes {dimension_semantics = [#tpu.dimension_semantics<core_parallel>, #tpu.dimension_semantics<subcore_parallel>], iteration_bounds = array<i64: 2, 16>, scalar_prefetch = 0 : i64, scratch_operands = 25 : i64, tpu.core_type = #tpu.core_type<sc_vector_subcore>, window_params = [{transform_indices = #map}, {transform_indices = #map}, {transform_indices = #map}]} {
    %mul3A = arith.constant 2 : i32
    %mul3A_0 = arith.muli %arg1, %mul3A : i32
    %add3A = arith.addi %mul3A_0, %arg0 : i32
    %mul3A_1 = arith.constant 1024 : i32
    %mul3A_2 = arith.muli %add3A, %mul3A_1 : i32
    %jit3A = arith.constant 8 : i32
    %div3A = arith.divsi %add3A, %jit3A : i32
    %sign3A = arith.constant 0 : i32
    %sign3A_3 = arith.cmpi sgt, %add3A, %sign3A : i32
    %sign3A_4 = arith.extui %sign3A_3 : i1 to i32
    %sign3A_5 = arith.constant 0 : i32
    %sign3A_6 = arith.cmpi slt, %add3A, %sign3A_5 : i32
    %sign3A_7 = arith.extui %sign3A_6 : i1 to i32
    %sign3A_8 = arith.subi %sign3A_4, %sign3A_7 : i32
    %sign3A_9 = arith.constant 0 : i32
    %sign3A_10 = arith.cmpi sgt, %jit3A, %sign3A_9 : i32
    %sign3A_11 = arith.extui %sign3A_10 : i1 to i32
    %sign3A_12 = arith.constant 0 : i32
    %sign3A_13 = arith.cmpi slt, %jit3A, %sign3A_12 : i32
    %sign3A_14 = arith.extui %sign3A_13 : i1 to i32
    %sign3A_15 = arith.subi %sign3A_11, %sign3A_14 : i32
    %ne3A = arith.cmpi ne, %sign3A_8, %sign3A_15 : i32
    %rem3A = arith.remsi %add3A, %jit3A : i32
    %ne3A_16 = arith.constant 0 : i32
    %ne3A_17 = arith.cmpi ne, %rem3A, %ne3A_16 : i32
    %and3A = arith.andi %ne3A, %ne3A_17 : i1
    %sub3A = arith.constant 1 : i32
    %sub3A_18 = arith.subi %div3A, %sub3A : i32
    %select_n3A = arith.select %and3A, %sub3A_18, %div3A : i32
    %jit3A_19 = arith.constant 8 : i32
    %eq3A = arith.constant 0 : i32
    %eq3A_20 = arith.cmpi eq, %jit3A_19, %eq3A : i32
    %jit3A_21 = arith.constant 1 : i32
    %select_n3A_22 = arith.select %eq3A_20, %jit3A_21, %jit3A_19 : i32
    %rem3A_23 = arith.remsi %add3A, %select_n3A_22 : i32
    %ne3A_24 = arith.constant 0 : i32
    %ne3A_25 = arith.cmpi ne, %rem3A_23, %ne3A_24 : i32
    %lt3A = arith.constant 0 : i32
    %lt3A_26 = arith.cmpi slt, %rem3A_23, %lt3A : i32
    %lt3A_27 = arith.constant 0 : i32
    %lt3A_28 = arith.cmpi slt, %select_n3A_22, %lt3A_27 : i32
    %ne3A_29 = arith.xori %lt3A_26, %lt3A_28 : i1
    %and3A_30 = arith.andi %ne3A_29, %ne3A_25 : i1
    %add3A_31 = arith.addi %rem3A_23, %select_n3A_22 : i32
    %select_n3A_32 = arith.select %and3A_30, %add3A_31, %rem3A_23 : i32
    %mul3A_33 = arith.constant 1024 : i32
    %mul3A_34 = arith.muli %select_n3A_32, %mul3A_33 : i32
    "tpu.region"() ({
      %run_scoped3A = tpu.sem_alloc : memref<!tpu.dma_semaphore, #tpu.memory_space<semaphore_mem>>
      %dma_start3A_75 = tpu.memref_slice %arg3[%select_n3A, %mul3A_34] : memref<4x8192xi32, #tpu.memory_space<hbm>> -> memref<1x1024xi32, #tpu.memory_space<hbm>>
      %dma_start3A_76 = tpu.memref_squeeze %dma_start3A_75 : memref<1x1024xi32, #tpu.memory_space<hbm>> -> memref<1024xi32, #tpu.memory_space<hbm>>
      %dma_start3A_77 = tpu.memref_slice %arg3[%select_n3A, %mul3A_34] : memref<4x8192xi32, #tpu.memory_space<hbm>> -> memref<1x1024xi32, #tpu.memory_space<hbm>>
      %dma_start3A_78 = tpu.memref_squeeze %dma_start3A_77 : memref<1x1024xi32, #tpu.memory_space<hbm>> -> memref<1024xi32, #tpu.memory_space<hbm>>
      tpu.enqueue_dma source(%dma_start3A_78 : memref<1024xi32, #tpu.memory_space<hbm>>) target(%arg5 : memref<1024xi32, #tpu.memory_space<vmem>>) target_semaphore(%run_scoped3A : memref<!tpu.dma_semaphore, #tpu.memory_space<semaphore_mem>>)
      %dma_wait3A_79 = tpu.memref_slice %arg3[%select_n3A, %mul3A_34] : memref<4x8192xi32, #tpu.memory_space<hbm>> -> memref<1x1024xi32, #tpu.memory_space<hbm>>
      %dma_wait3A_80 = tpu.memref_squeeze %dma_wait3A_79 : memref<1x1024xi32, #tpu.memory_space<hbm>> -> memref<1024xi32, #tpu.memory_space<hbm>>
      %dma_wait3A_81 = tpu.memref_slice %arg3[%select_n3A, %mul3A_34] : memref<4x8192xi32, #tpu.memory_space<hbm>> -> memref<1x1024xi32, #tpu.memory_space<hbm>>
      %dma_wait3A_82 = tpu.memref_squeeze %dma_wait3A_81 : memref<1x1024xi32, #tpu.memory_space<hbm>> -> memref<1024xi32, #tpu.memory_space<hbm>>
      tpu.wait_dma2 semaphore(%run_scoped3A : memref<!tpu.dma_semaphore, #tpu.memory_space<semaphore_mem>>) src(%dma_wait3A_82 : memref<1024xi32, #tpu.memory_space<hbm>>) dst(%arg5 : memref<1024xi32, #tpu.memory_space<vmem>>)
      tpu.yield
    }) : () -> ()
    %dma_start3A = arith.constant 0 : i32
    %dma_start3A_35 = tpu.memref_slice %arg5[%dma_start3A] : memref<1024xi32, #tpu.memory_space<vmem>> -> memref<8xi32, #tpu.memory_space<vmem>>
    %dma_start3A_36 = arith.constant 0 : i32
    %dma_start3A_37 = arith.constant 0 : i32
    %dma_start3A_38 = tpu.memref_slice %arg2[%dma_start3A_36, %dma_start3A_37] : memref<8192x1024xf32, #tpu.memory_space<hbm>> -> memref<8192x1024xf32, #tpu.memory_space<hbm>>
    tpu.enqueue_indirect_dma source(%dma_start3A_38 : memref<8192x1024xf32, #tpu.memory_space<hbm>>) target(%arg6 : memref<8x1024xf32, #tpu.memory_space<vmem>>) offsets(%dma_start3A_35 : memref<8xi32, #tpu.memory_space<vmem>>) semaphore(%arg14 : memref<!tpu.dma_semaphore, #tpu.memory_space<semaphore_mem>>)
    %dma_start3A_39 = arith.constant 8 : i32
    %dma_start3A_40 = tpu.memref_slice %arg5[%dma_start3A_39] : memref<1024xi32, #tpu.memory_space<vmem>> -> memref<8xi32, #tpu.memory_space<vmem>>
    %dma_start3A_41 = arith.constant 0 : i32
    %dma_start3A_42 = arith.constant 0 : i32
    %dma_start3A_43 = tpu.memref_slice %arg2[%dma_start3A_41, %dma_start3A_42] : memref<8192x1024xf32, #tpu.memory_space<hbm>> -> memref<8192x1024xf32, #tpu.memory_space<hbm>>
    tpu.enqueue_indirect_dma source(%dma_start3A_43 : memref<8192x1024xf32, #tpu.memory_space<hbm>>) target(%arg7 : memref<8x1024xf32, #tpu.memory_space<vmem>>) offsets(%dma_start3A_40 : memref<8xi32, #tpu.memory_space<vmem>>) semaphore(%arg15 : memref<!tpu.dma_semaphore, #tpu.memory_space<semaphore_mem>>)
    %dma_start3A_44 = arith.constant 16 : i32
    %dma_start3A_45 = tpu.memref_slice %arg5[%dma_start3A_44] : memref<1024xi32, #tpu.memory_space<vmem>> -> memref<8xi32, #tpu.memory_space<vmem>>
    %dma_start3A_46 = arith.constant 0 : i32
    %dma_start3A_47 = arith.constant 0 : i32
    %dma_start3A_48 = tpu.memref_slice %arg2[%dma_start3A_46, %dma_start3A_47] : memref<8192x1024xf32, #tpu.memory_space<hbm>> -> memref<8192x1024xf32, #tpu.memory_space<hbm>>
    tpu.enqueue_indirect_dma source(%dma_start3A_48 : memref<8192x1024xf32, #tpu.memory_space<hbm>>) target(%arg8 : memref<8x1024xf32, #tpu.memory_space<vmem>>) offsets(%dma_start3A_45 : memref<8xi32, #tpu.memory_space<vmem>>) semaphore(%arg16 : memref<!tpu.dma_semaphore, #tpu.memory_space<semaphore_mem>>)
    %dma_start3A_49 = arith.constant 24 : i32
    %dma_start3A_50 = tpu.memref_slice %arg5[%dma_start3A_49] : memref<1024xi32, #tpu.memory_space<vmem>> -> memref<8xi32, #tpu.memory_space<vmem>>
    %dma_start3A_51 = arith.constant 0 : i32
    %dma_start3A_52 = arith.constant 0 : i32
    %dma_start3A_53 = tpu.memref_slice %arg2[%dma_start3A_51, %dma_start3A_52] : memref<8192x1024xf32, #tpu.memory_space<hbm>> -> memref<8192x1024xf32, #tpu.memory_space<hbm>>
    tpu.enqueue_indirect_dma source(%dma_start3A_53 : memref<8192x1024xf32, #tpu.memory_space<hbm>>) target(%arg9 : memref<8x1024xf32, #tpu.memory_space<vmem>>) offsets(%dma_start3A_50 : memref<8xi32, #tpu.memory_space<vmem>>) semaphore(%arg17 : memref<!tpu.dma_semaphore, #tpu.memory_space<semaphore_mem>>)
    %dma_start3A_54 = arith.constant 32 : i32
    %dma_start3A_55 = tpu.memref_slice %arg5[%dma_start3A_54] : memref<1024xi32, #tpu.memory_space<vmem>> -> memref<8xi32, #tpu.memory_space<vmem>>
    %dma_start3A_56 = arith.constant 0 : i32
    %dma_start3A_57 = arith.constant 0 : i32
    %dma_start3A_58 = tpu.memref_slice %arg2[%dma_start3A_56, %dma_start3A_57] : memref<8192x1024xf32, #tpu.memory_space<hbm>> -> memref<8192x1024xf32, #tpu.memory_space<hbm>>
    tpu.enqueue_indirect_dma source(%dma_start3A_58 : memref<8192x1024xf32, #tpu.memory_space<hbm>>) target(%arg10 : memref<8x1024xf32, #tpu.memory_space<vmem>>) offsets(%dma_start3A_55 : memref<8xi32, #tpu.memory_space<vmem>>) semaphore(%arg18 : memref<!tpu.dma_semaphore, #tpu.memory_space<semaphore_mem>>)
    %scan3A = arith.constant 0 : i32
    %scan3A_59 = arith.constant 0 : i32
    %scan3A_60 = arith.constant 16 : i32
    %scan3A_61 = arith.addi %scan3A_59, %scan3A_60 : i32
    %scan3A_62 = arith.constant 1 : i32
    scf.for %scan3A_75 = %scan3A_59 to %scan3A_61 step %scan3A_62  : i32 {
      %mul3A_76 = arith.constant 8 : i32
      %mul3A_77 = arith.muli %scan3A_75, %mul3A_76 : i32
      %add3A_78 = arith.constant 0 : i32
      %add3A_79 = arith.addi %mul3A_77, %add3A_78 : i32
      %dma_wait3A_80 = arith.constant 0 : i32
      %dma_wait3A_81 = arith.constant 0 : i32
      %dma_wait3A_82 = tpu.memref_slice %arg2[%dma_wait3A_80, %dma_wait3A_81] : memref<8192x1024xf32, #tpu.memory_space<hbm>> -> memref<8x1024xf32, #tpu.memory_space<hbm>>
      %dma_wait3A_83 = arith.constant 0 : i32
      %dma_wait3A_84 = arith.constant 0 : i32
      %dma_wait3A_85 = tpu.memref_slice %arg2[%dma_wait3A_83, %dma_wait3A_84] : memref<8192x1024xf32, #tpu.memory_space<hbm>> -> memref<8x1024xf32, #tpu.memory_space<hbm>>
      tpu.wait_dma2 semaphore(%arg14 : memref<!tpu.dma_semaphore, #tpu.memory_space<semaphore_mem>>) src(%dma_wait3A_85 : memref<8x1024xf32, #tpu.memory_space<hbm>>) dst(%arg6 : memref<8x1024xf32, #tpu.memory_space<vmem>>)
      %mul3A_86 = arith.constant 8 : i32
      %mul3A_87 = arith.muli %add3A_79, %mul3A_86 : i32
      %add3A_88 = arith.addi %mul3A_2, %mul3A_87 : i32
      %dma_start3A_89 = arith.constant 0 : i32
      %dma_start3A_90 = tpu.memref_slice %arg4[%add3A_88, %dma_start3A_89] : memref<32768x1024xf32, #tpu.memory_space<hbm>> -> memref<8x1024xf32, #tpu.memory_space<hbm>>
      %dma_start3A_91 = arith.constant 0 : i32
      %dma_start3A_92 = tpu.memref_slice %arg4[%add3A_88, %dma_start3A_91] : memref<32768x1024xf32, #tpu.memory_space<hbm>> -> memref<8x1024xf32, #tpu.memory_space<hbm>>
      tpu.enqueue_dma source(%arg6 : memref<8x1024xf32, #tpu.memory_space<vmem>>) target(%dma_start3A_92 : memref<8x1024xf32, #tpu.memory_space<hbm>>) target_semaphore(%arg22 : memref<!tpu.dma_semaphore, #tpu.memory_space<semaphore_mem>>)
      %add3A_93 = arith.constant 5 : i32
      %add3A_94 = arith.addi %add3A_79, %add3A_93 : i32
      %ge3A = arith.constant 3 : i32
      %ge3A_95 = arith.cmpi sge, %add3A_79, %ge3A : i32
      %convert_element_type3A = arith.extui %ge3A_95 : i1 to i32
      %cond3A = arith.constant 0 : i32
      %cond3A_96 = arith.cmpi ne, %convert_element_type3A, %cond3A : i32
      scf.if %cond3A_96 {
        %dma_wait3A_300 = arith.constant 0 : i32
        %dma_wait3A_301 = tpu.memref_slice %arg4[%mul3A_2, %dma_wait3A_300] : memref<32768x1024xf32, #tpu.memory_space<hbm>> -> memref<8x1024xf32, #tpu.memory_space<hbm>>
        %dma_wait3A_302 = arith.constant 0 : i32
        %dma_wait3A_303 = tpu.memref_slice %arg4[%mul3A_2, %dma_wait3A_302] : memref<32768x1024xf32, #tpu.memory_space<hbm>> -> memref<8x1024xf32, #tpu.memory_space<hbm>>
        tpu.wait_dma2 semaphore(%arg27 : memref<!tpu.dma_semaphore, #tpu.memory_space<semaphore_mem>>) src(%arg11 : memref<8x1024xf32, #tpu.memory_space<vmem>>) dst(%dma_wait3A_303 : memref<8x1024xf32, #tpu.memory_space<hbm>>)
      } else {
      }
      %lt3A_97 = arith.constant 128 : i32
      %lt3A_98 = arith.cmpi slt, %add3A_94, %lt3A_97 : i32
      %convert_element_type3A_99 = arith.extui %lt3A_98 : i1 to i32
      %cond3A_100 = arith.constant 0 : i32
      %cond3A_101 = arith.cmpi ne, %convert_element_type3A_99, %cond3A_100 : i32
      scf.if %cond3A_101 {
        %mul3A_300 = arith.constant 8 : i32
        %mul3A_301 = arith.muli %add3A_94, %mul3A_300 : i32
        %dma_start3A_302 = tpu.memref_slice %arg5[%mul3A_301] : memref<1024xi32, #tpu.memory_space<vmem>> -> memref<8xi32, #tpu.memory_space<vmem>>
        %dma_start3A_303 = arith.constant 0 : i32
        %dma_start3A_304 = arith.constant 0 : i32
        %dma_start3A_305 = tpu.memref_slice %arg2[%dma_start3A_303, %dma_start3A_304] : memref<8192x1024xf32, #tpu.memory_space<hbm>> -> memref<8192x1024xf32, #tpu.memory_space<hbm>>
        tpu.enqueue_indirect_dma source(%dma_start3A_305 : memref<8192x1024xf32, #tpu.memory_space<hbm>>) target(%arg11 : memref<8x1024xf32, #tpu.memory_space<vmem>>) offsets(%dma_start3A_302 : memref<8xi32, #tpu.memory_space<vmem>>) semaphore(%arg19 : memref<!tpu.dma_semaphore, #tpu.memory_space<semaphore_mem>>)
      } else {
      }
      %mul3A_102 = arith.constant 8 : i32
      %mul3A_103 = arith.muli %scan3A_75, %mul3A_102 : i32
      %add3A_104 = arith.constant 1 : i32
      %add3A_105 = arith.addi %mul3A_103, %add3A_104 : i32
      %dma_wait3A_106 = arith.constant 0 : i32
      %dma_wait3A_107 = arith.constant 0 : i32
      %dma_wait3A_108 = tpu.memref_slice %arg2[%dma_wait3A_106, %dma_wait3A_107] : memref<8192x1024xf32, #tpu.memory_space<hbm>> -> memref<8x1024xf32, #tpu.memory_space<hbm>>
      %dma_wait3A_109 = arith.constant 0 : i32
      %dma_wait3A_110 = arith.constant 0 : i32
      %dma_wait3A_111 = tpu.memref_slice %arg2[%dma_wait3A_109, %dma_wait3A_110] : memref<8192x1024xf32, #tpu.memory_space<hbm>> -> memref<8x1024xf32, #tpu.memory_space<hbm>>
      tpu.wait_dma2 semaphore(%arg15 : memref<!tpu.dma_semaphore, #tpu.memory_space<semaphore_mem>>) src(%dma_wait3A_111 : memref<8x1024xf32, #tpu.memory_space<hbm>>) dst(%arg7 : memref<8x1024xf32, #tpu.memory_space<vmem>>)
      %mul3A_112 = arith.constant 8 : i32
      %mul3A_113 = arith.muli %add3A_105, %mul3A_112 : i32
      %add3A_114 = arith.addi %mul3A_2, %mul3A_113 : i32
      %dma_start3A_115 = arith.constant 0 : i32
      %dma_start3A_116 = tpu.memref_slice %arg4[%add3A_114, %dma_start3A_115] : memref<32768x1024xf32, #tpu.memory_space<hbm>> -> memref<8x1024xf32, #tpu.memory_space<hbm>>
      %dma_start3A_117 = arith.constant 0 : i32
      %dma_start3A_118 = tpu.memref_slice %arg4[%add3A_114, %dma_start3A_117] : memref<32768x1024xf32, #tpu.memory_space<hbm>> -> memref<8x1024xf32, #tpu.memory_space<hbm>>
      tpu.enqueue_dma source(%arg7 : memref<8x1024xf32, #tpu.memory_space<vmem>>) target(%dma_start3A_118 : memref<8x1024xf32, #tpu.memory_space<hbm>>) target_semaphore(%arg23 : memref<!tpu.dma_semaphore, #tpu.memory_space<semaphore_mem>>)
      %add3A_119 = arith.constant 5 : i32
      %add3A_120 = arith.addi %add3A_105, %add3A_119 : i32
      %ge3A_121 = arith.constant 3 : i32
      %ge3A_122 = arith.cmpi sge, %add3A_105, %ge3A_121 : i32
      %convert_element_type3A_123 = arith.extui %ge3A_122 : i1 to i32
      %cond3A_124 = arith.constant 0 : i32
      %cond3A_125 = arith.cmpi ne, %convert_element_type3A_123, %cond3A_124 : i32
      scf.if %cond3A_125 {
        %dma_wait3A_300 = arith.constant 0 : i32
        %dma_wait3A_301 = tpu.memref_slice %arg4[%mul3A_2, %dma_wait3A_300] : memref<32768x1024xf32, #tpu.memory_space<hbm>> -> memref<8x1024xf32, #tpu.memory_space<hbm>>
        %dma_wait3A_302 = arith.constant 0 : i32
        %dma_wait3A_303 = tpu.memref_slice %arg4[%mul3A_2, %dma_wait3A_302] : memref<32768x1024xf32, #tpu.memory_space<hbm>> -> memref<8x1024xf32, #tpu.memory_space<hbm>>
        tpu.wait_dma2 semaphore(%arg28 : memref<!tpu.dma_semaphore, #tpu.memory_space<semaphore_mem>>) src(%arg12 : memref<8x1024xf32, #tpu.memory_space<vmem>>) dst(%dma_wait3A_303 : memref<8x1024xf32, #tpu.memory_space<hbm>>)
      } else {
      }
      %lt3A_126 = arith.constant 128 : i32
      %lt3A_127 = arith.cmpi slt, %add3A_120, %lt3A_126 : i32
      %convert_element_type3A_128 = arith.extui %lt3A_127 : i1 to i32
      %cond3A_129 = arith.constant 0 : i32
      %cond3A_130 = arith.cmpi ne, %convert_element_type3A_128, %cond3A_129 : i32
      scf.if %cond3A_130 {
        %mul3A_300 = arith.constant 8 : i32
        %mul3A_301 = arith.muli %add3A_120, %mul3A_300 : i32
        %dma_start3A_302 = tpu.memref_slice %arg5[%mul3A_301] : memref<1024xi32, #tpu.memory_space<vmem>> -> memref<8xi32, #tpu.memory_space<vmem>>
        %dma_start3A_303 = arith.constant 0 : i32
        %dma_start3A_304 = arith.constant 0 : i32
        %dma_start3A_305 = tpu.memref_slice %arg2[%dma_start3A_303, %dma_start3A_304] : memref<8192x1024xf32, #tpu.memory_space<hbm>> -> memref<8192x1024xf32, #tpu.memory_space<hbm>>
        tpu.enqueue_indirect_dma source(%dma_start3A_305 : memref<8192x1024xf32, #tpu.memory_space<hbm>>) target(%arg12 : memref<8x1024xf32, #tpu.memory_space<vmem>>) offsets(%dma_start3A_302 : memref<8xi32, #tpu.memory_space<vmem>>) semaphore(%arg20 : memref<!tpu.dma_semaphore, #tpu.memory_space<semaphore_mem>>)
      } else {
      }
      %mul3A_131 = arith.constant 8 : i32
      %mul3A_132 = arith.muli %scan3A_75, %mul3A_131 : i32
      %add3A_133 = arith.constant 2 : i32
      %add3A_134 = arith.addi %mul3A_132, %add3A_133 : i32
      %dma_wait3A_135 = arith.constant 0 : i32
      %dma_wait3A_136 = arith.constant 0 : i32
      %dma_wait3A_137 = tpu.memref_slice %arg2[%dma_wait3A_135, %dma_wait3A_136] : memref<8192x1024xf32, #tpu.memory_space<hbm>> -> memref<8x1024xf32, #tpu.memory_space<hbm>>
      %dma_wait3A_138 = arith.constant 0 : i32
      %dma_wait3A_139 = arith.constant 0 : i32
      %dma_wait3A_140 = tpu.memref_slice %arg2[%dma_wait3A_138, %dma_wait3A_139] : memref<8192x1024xf32, #tpu.memory_space<hbm>> -> memref<8x1024xf32, #tpu.memory_space<hbm>>
      tpu.wait_dma2 semaphore(%arg16 : memref<!tpu.dma_semaphore, #tpu.memory_space<semaphore_mem>>) src(%dma_wait3A_140 : memref<8x1024xf32, #tpu.memory_space<hbm>>) dst(%arg8 : memref<8x1024xf32, #tpu.memory_space<vmem>>)
      %mul3A_141 = arith.constant 8 : i32
      %mul3A_142 = arith.muli %add3A_134, %mul3A_141 : i32
      %add3A_143 = arith.addi %mul3A_2, %mul3A_142 : i32
      %dma_start3A_144 = arith.constant 0 : i32
      %dma_start3A_145 = tpu.memref_slice %arg4[%add3A_143, %dma_start3A_144] : memref<32768x1024xf32, #tpu.memory_space<hbm>> -> memref<8x1024xf32, #tpu.memory_space<hbm>>
      %dma_start3A_146 = arith.constant 0 : i32
      %dma_start3A_147 = tpu.memref_slice %arg4[%add3A_143, %dma_start3A_146] : memref<32768x1024xf32, #tpu.memory_space<hbm>> -> memref<8x1024xf32, #tpu.memory_space<hbm>>
      tpu.enqueue_dma source(%arg8 : memref<8x1024xf32, #tpu.memory_space<vmem>>) target(%dma_start3A_147 : memref<8x1024xf32, #tpu.memory_space<hbm>>) target_semaphore(%arg24 : memref<!tpu.dma_semaphore, #tpu.memory_space<semaphore_mem>>)
      %add3A_148 = arith.constant 5 : i32
      %add3A_149 = arith.addi %add3A_134, %add3A_148 : i32
      %ge3A_150 = arith.constant 3 : i32
      %ge3A_151 = arith.cmpi sge, %add3A_134, %ge3A_150 : i32
      %convert_element_type3A_152 = arith.extui %ge3A_151 : i1 to i32
      %cond3A_153 = arith.constant 0 : i32
      %cond3A_154 = arith.cmpi ne, %convert_element_type3A_152, %cond3A_153 : i32
      scf.if %cond3A_154 {
        %dma_wait3A_300 = arith.constant 0 : i32
        %dma_wait3A_301 = tpu.memref_slice %arg4[%mul3A_2, %dma_wait3A_300] : memref<32768x1024xf32, #tpu.memory_space<hbm>> -> memref<8x1024xf32, #tpu.memory_space<hbm>>
        %dma_wait3A_302 = arith.constant 0 : i32
        %dma_wait3A_303 = tpu.memref_slice %arg4[%mul3A_2, %dma_wait3A_302] : memref<32768x1024xf32, #tpu.memory_space<hbm>> -> memref<8x1024xf32, #tpu.memory_space<hbm>>
        tpu.wait_dma2 semaphore(%arg29 : memref<!tpu.dma_semaphore, #tpu.memory_space<semaphore_mem>>) src(%arg13 : memref<8x1024xf32, #tpu.memory_space<vmem>>) dst(%dma_wait3A_303 : memref<8x1024xf32, #tpu.memory_space<hbm>>)
      } else {
      }
      %lt3A_155 = arith.constant 128 : i32
      %lt3A_156 = arith.cmpi slt, %add3A_149, %lt3A_155 : i32
      %convert_element_type3A_157 = arith.extui %lt3A_156 : i1 to i32
      %cond3A_158 = arith.constant 0 : i32
      %cond3A_159 = arith.cmpi ne, %convert_element_type3A_157, %cond3A_158 : i32
      scf.if %cond3A_159 {
        %mul3A_300 = arith.constant 8 : i32
        %mul3A_301 = arith.muli %add3A_149, %mul3A_300 : i32
        %dma_start3A_302 = tpu.memref_slice %arg5[%mul3A_301] : memref<1024xi32, #tpu.memory_space<vmem>> -> memref<8xi32, #tpu.memory_space<vmem>>
        %dma_start3A_303 = arith.constant 0 : i32
        %dma_start3A_304 = arith.constant 0 : i32
        %dma_start3A_305 = tpu.memref_slice %arg2[%dma_start3A_303, %dma_start3A_304] : memref<8192x1024xf32, #tpu.memory_space<hbm>> -> memref<8192x1024xf32, #tpu.memory_space<hbm>>
        tpu.enqueue_indirect_dma source(%dma_start3A_305 : memref<8192x1024xf32, #tpu.memory_space<hbm>>) target(%arg13 : memref<8x1024xf32, #tpu.memory_space<vmem>>) offsets(%dma_start3A_302 : memref<8xi32, #tpu.memory_space<vmem>>) semaphore(%arg21 : memref<!tpu.dma_semaphore, #tpu.memory_space<semaphore_mem>>)
      } else {
      }
      %mul3A_160 = arith.constant 8 : i32
      %mul3A_161 = arith.muli %scan3A_75, %mul3A_160 : i32
      %add3A_162 = arith.constant 3 : i32
      %add3A_163 = arith.addi %mul3A_161, %add3A_162 : i32
      %dma_wait3A_164 = arith.constant 0 : i32
      %dma_wait3A_165 = arith.constant 0 : i32
      %dma_wait3A_166 = tpu.memref_slice %arg2[%dma_wait3A_164, %dma_wait3A_165] : memref<8192x1024xf32, #tpu.memory_space<hbm>> -> memref<8x1024xf32, #tpu.memory_space<hbm>>
      %dma_wait3A_167 = arith.constant 0 : i32
      %dma_wait3A_168 = arith.constant 0 : i32
      %dma_wait3A_169 = tpu.memref_slice %arg2[%dma_wait3A_167, %dma_wait3A_168] : memref<8192x1024xf32, #tpu.memory_space<hbm>> -> memref<8x1024xf32, #tpu.memory_space<hbm>>
      tpu.wait_dma2 semaphore(%arg17 : memref<!tpu.dma_semaphore, #tpu.memory_space<semaphore_mem>>) src(%dma_wait3A_169 : memref<8x1024xf32, #tpu.memory_space<hbm>>) dst(%arg9 : memref<8x1024xf32, #tpu.memory_space<vmem>>)
      %mul3A_170 = arith.constant 8 : i32
      %mul3A_171 = arith.muli %add3A_163, %mul3A_170 : i32
      %add3A_172 = arith.addi %mul3A_2, %mul3A_171 : i32
      %dma_start3A_173 = arith.constant 0 : i32
      %dma_start3A_174 = tpu.memref_slice %arg4[%add3A_172, %dma_start3A_173] : memref<32768x1024xf32, #tpu.memory_space<hbm>> -> memref<8x1024xf32, #tpu.memory_space<hbm>>
      %dma_start3A_175 = arith.constant 0 : i32
      %dma_start3A_176 = tpu.memref_slice %arg4[%add3A_172, %dma_start3A_175] : memref<32768x1024xf32, #tpu.memory_space<hbm>> -> memref<8x1024xf32, #tpu.memory_space<hbm>>
      tpu.enqueue_dma source(%arg9 : memref<8x1024xf32, #tpu.memory_space<vmem>>) target(%dma_start3A_176 : memref<8x1024xf32, #tpu.memory_space<hbm>>) target_semaphore(%arg25 : memref<!tpu.dma_semaphore, #tpu.memory_space<semaphore_mem>>)
      %add3A_177 = arith.constant 5 : i32
      %add3A_178 = arith.addi %add3A_163, %add3A_177 : i32
      %dma_wait3A_179 = arith.constant 0 : i32
      %dma_wait3A_180 = tpu.memref_slice %arg4[%mul3A_2, %dma_wait3A_179] : memref<32768x1024xf32, #tpu.memory_space<hbm>> -> memref<8x1024xf32, #tpu.memory_space<hbm>>
      %dma_wait3A_181 = arith.constant 0 : i32
      %dma_wait3A_182 = tpu.memref_slice %arg4[%mul3A_2, %dma_wait3A_181] : memref<32768x1024xf32, #tpu.memory_space<hbm>> -> memref<8x1024xf32, #tpu.memory_space<hbm>>
      tpu.wait_dma2 semaphore(%arg22 : memref<!tpu.dma_semaphore, #tpu.memory_space<semaphore_mem>>) src(%arg6 : memref<8x1024xf32, #tpu.memory_space<vmem>>) dst(%dma_wait3A_182 : memref<8x1024xf32, #tpu.memory_space<hbm>>)
      %lt3A_183 = arith.constant 128 : i32
      %lt3A_184 = arith.cmpi slt, %add3A_178, %lt3A_183 : i32
      %convert_element_type3A_185 = arith.extui %lt3A_184 : i1 to i32
      %cond3A_186 = arith.constant 0 : i32
      %cond3A_187 = arith.cmpi ne, %convert_element_type3A_185, %cond3A_186 : i32
      scf.if %cond3A_187 {
        %mul3A_300 = arith.constant 8 : i32
        %mul3A_301 = arith.muli %add3A_178, %mul3A_300 : i32
        %dma_start3A_302 = tpu.memref_slice %arg5[%mul3A_301] : memref<1024xi32, #tpu.memory_space<vmem>> -> memref<8xi32, #tpu.memory_space<vmem>>
        %dma_start3A_303 = arith.constant 0 : i32
        %dma_start3A_304 = arith.constant 0 : i32
        %dma_start3A_305 = tpu.memref_slice %arg2[%dma_start3A_303, %dma_start3A_304] : memref<8192x1024xf32, #tpu.memory_space<hbm>> -> memref<8192x1024xf32, #tpu.memory_space<hbm>>
        tpu.enqueue_indirect_dma source(%dma_start3A_305 : memref<8192x1024xf32, #tpu.memory_space<hbm>>) target(%arg6 : memref<8x1024xf32, #tpu.memory_space<vmem>>) offsets(%dma_start3A_302 : memref<8xi32, #tpu.memory_space<vmem>>) semaphore(%arg14 : memref<!tpu.dma_semaphore, #tpu.memory_space<semaphore_mem>>)
      } else {
      }
      %mul3A_188 = arith.constant 8 : i32
      %mul3A_189 = arith.muli %scan3A_75, %mul3A_188 : i32
      %add3A_190 = arith.constant 4 : i32
      %add3A_191 = arith.addi %mul3A_189, %add3A_190 : i32
      %dma_wait3A_192 = arith.constant 0 : i32
      %dma_wait3A_193 = arith.constant 0 : i32
      %dma_wait3A_194 = tpu.memref_slice %arg2[%dma_wait3A_192, %dma_wait3A_193] : memref<8192x1024xf32, #tpu.memory_space<hbm>> -> memref<8x1024xf32, #tpu.memory_space<hbm>>
      %dma_wait3A_195 = arith.constant 0 : i32
      %dma_wait3A_196 = arith.constant 0 : i32
      %dma_wait3A_197 = tpu.memref_slice %arg2[%dma_wait3A_195, %dma_wait3A_196] : memref<8192x1024xf32, #tpu.memory_space<hbm>> -> memref<8x1024xf32, #tpu.memory_space<hbm>>
      tpu.wait_dma2 semaphore(%arg18 : memref<!tpu.dma_semaphore, #tpu.memory_space<semaphore_mem>>) src(%dma_wait3A_197 : memref<8x1024xf32, #tpu.memory_space<hbm>>) dst(%arg10 : memref<8x1024xf32, #tpu.memory_space<vmem>>)
      %mul3A_198 = arith.constant 8 : i32
      %mul3A_199 = arith.muli %add3A_191, %mul3A_198 : i32
      %add3A_200 = arith.addi %mul3A_2, %mul3A_199 : i32
      %dma_start3A_201 = arith.constant 0 : i32
      %dma_start3A_202 = tpu.memref_slice %arg4[%add3A_200, %dma_start3A_201] : memref<32768x1024xf32, #tpu.memory_space<hbm>> -> memref<8x1024xf32, #tpu.memory_space<hbm>>
      %dma_start3A_203 = arith.constant 0 : i32
      %dma_start3A_204 = tpu.memref_slice %arg4[%add3A_200, %dma_start3A_203] : memref<32768x1024xf32, #tpu.memory_space<hbm>> -> memref<8x1024xf32, #tpu.memory_space<hbm>>
      tpu.enqueue_dma source(%arg10 : memref<8x1024xf32, #tpu.memory_space<vmem>>) target(%dma_start3A_204 : memref<8x1024xf32, #tpu.memory_space<hbm>>) target_semaphore(%arg26 : memref<!tpu.dma_semaphore, #tpu.memory_space<semaphore_mem>>)
      %add3A_205 = arith.constant 5 : i32
      %add3A_206 = arith.addi %add3A_191, %add3A_205 : i32
      %dma_wait3A_207 = arith.constant 0 : i32
      %dma_wait3A_208 = tpu.memref_slice %arg4[%mul3A_2, %dma_wait3A_207] : memref<32768x1024xf32, #tpu.memory_space<hbm>> -> memref<8x1024xf32, #tpu.memory_space<hbm>>
      %dma_wait3A_209 = arith.constant 0 : i32
      %dma_wait3A_210 = tpu.memref_slice %arg4[%mul3A_2, %dma_wait3A_209] : memref<32768x1024xf32, #tpu.memory_space<hbm>> -> memref<8x1024xf32, #tpu.memory_space<hbm>>
      tpu.wait_dma2 semaphore(%arg23 : memref<!tpu.dma_semaphore, #tpu.memory_space<semaphore_mem>>) src(%arg7 : memref<8x1024xf32, #tpu.memory_space<vmem>>) dst(%dma_wait3A_210 : memref<8x1024xf32, #tpu.memory_space<hbm>>)
      %lt3A_211 = arith.constant 128 : i32
      %lt3A_212 = arith.cmpi slt, %add3A_206, %lt3A_211 : i32
      %convert_element_type3A_213 = arith.extui %lt3A_212 : i1 to i32
      %cond3A_214 = arith.constant 0 : i32
      %cond3A_215 = arith.cmpi ne, %convert_element_type3A_213, %cond3A_214 : i32
      scf.if %cond3A_215 {
        %mul3A_300 = arith.constant 8 : i32
        %mul3A_301 = arith.muli %add3A_206, %mul3A_300 : i32
        %dma_start3A_302 = tpu.memref_slice %arg5[%mul3A_301] : memref<1024xi32, #tpu.memory_space<vmem>> -> memref<8xi32, #tpu.memory_space<vmem>>
        %dma_start3A_303 = arith.constant 0 : i32
        %dma_start3A_304 = arith.constant 0 : i32
        %dma_start3A_305 = tpu.memref_slice %arg2[%dma_start3A_303, %dma_start3A_304] : memref<8192x1024xf32, #tpu.memory_space<hbm>> -> memref<8192x1024xf32, #tpu.memory_space<hbm>>
        tpu.enqueue_indirect_dma source(%dma_start3A_305 : memref<8192x1024xf32, #tpu.memory_space<hbm>>) target(%arg7 : memref<8x1024xf32, #tpu.memory_space<vmem>>) offsets(%dma_start3A_302 : memref<8xi32, #tpu.memory_space<vmem>>) semaphore(%arg15 : memref<!tpu.dma_semaphore, #tpu.memory_space<semaphore_mem>>)
      } else {
      }
      %mul3A_216 = arith.constant 8 : i32
      %mul3A_217 = arith.muli %scan3A_75, %mul3A_216 : i32
      %add3A_218 = arith.constant 5 : i32
      %add3A_219 = arith.addi %mul3A_217, %add3A_218 : i32
      %dma_wait3A_220 = arith.constant 0 : i32
      %dma_wait3A_221 = arith.constant 0 : i32
      %dma_wait3A_222 = tpu.memref_slice %arg2[%dma_wait3A_220, %dma_wait3A_221] : memref<8192x1024xf32, #tpu.memory_space<hbm>> -> memref<8x1024xf32, #tpu.memory_space<hbm>>
      %dma_wait3A_223 = arith.constant 0 : i32
      %dma_wait3A_224 = arith.constant 0 : i32
      %dma_wait3A_225 = tpu.memref_slice %arg2[%dma_wait3A_223, %dma_wait3A_224] : memref<8192x1024xf32, #tpu.memory_space<hbm>> -> memref<8x1024xf32, #tpu.memory_space<hbm>>
      tpu.wait_dma2 semaphore(%arg19 : memref<!tpu.dma_semaphore, #tpu.memory_space<semaphore_mem>>) src(%dma_wait3A_225 : memref<8x1024xf32, #tpu.memory_space<hbm>>) dst(%arg11 : memref<8x1024xf32, #tpu.memory_space<vmem>>)
      %mul3A_226 = arith.constant 8 : i32
      %mul3A_227 = arith.muli %add3A_219, %mul3A_226 : i32
      %add3A_228 = arith.addi %mul3A_2, %mul3A_227 : i32
      %dma_start3A_229 = arith.constant 0 : i32
      %dma_start3A_230 = tpu.memref_slice %arg4[%add3A_228, %dma_start3A_229] : memref<32768x1024xf32, #tpu.memory_space<hbm>> -> memref<8x1024xf32, #tpu.memory_space<hbm>>
      %dma_start3A_231 = arith.constant 0 : i32
      %dma_start3A_232 = tpu.memref_slice %arg4[%add3A_228, %dma_start3A_231] : memref<32768x1024xf32, #tpu.memory_space<hbm>> -> memref<8x1024xf32, #tpu.memory_space<hbm>>
      tpu.enqueue_dma source(%arg11 : memref<8x1024xf32, #tpu.memory_space<vmem>>) target(%dma_start3A_232 : memref<8x1024xf32, #tpu.memory_space<hbm>>) target_semaphore(%arg27 : memref<!tpu.dma_semaphore, #tpu.memory_space<semaphore_mem>>)
      %add3A_233 = arith.constant 5 : i32
      %add3A_234 = arith.addi %add3A_219, %add3A_233 : i32
      %dma_wait3A_235 = arith.constant 0 : i32
      %dma_wait3A_236 = tpu.memref_slice %arg4[%mul3A_2, %dma_wait3A_235] : memref<32768x1024xf32, #tpu.memory_space<hbm>> -> memref<8x1024xf32, #tpu.memory_space<hbm>>
      %dma_wait3A_237 = arith.constant 0 : i32
      %dma_wait3A_238 = tpu.memref_slice %arg4[%mul3A_2, %dma_wait3A_237] : memref<32768x1024xf32, #tpu.memory_space<hbm>> -> memref<8x1024xf32, #tpu.memory_space<hbm>>
      tpu.wait_dma2 semaphore(%arg24 : memref<!tpu.dma_semaphore, #tpu.memory_space<semaphore_mem>>) src(%arg8 : memref<8x1024xf32, #tpu.memory_space<vmem>>) dst(%dma_wait3A_238 : memref<8x1024xf32, #tpu.memory_space<hbm>>)
      %lt3A_239 = arith.constant 128 : i32
      %lt3A_240 = arith.cmpi slt, %add3A_234, %lt3A_239 : i32
      %convert_element_type3A_241 = arith.extui %lt3A_240 : i1 to i32
      %cond3A_242 = arith.constant 0 : i32
      %cond3A_243 = arith.cmpi ne, %convert_element_type3A_241, %cond3A_242 : i32
      scf.if %cond3A_243 {
        %mul3A_300 = arith.constant 8 : i32
        %mul3A_301 = arith.muli %add3A_234, %mul3A_300 : i32
        %dma_start3A_302 = tpu.memref_slice %arg5[%mul3A_301] : memref<1024xi32, #tpu.memory_space<vmem>> -> memref<8xi32, #tpu.memory_space<vmem>>
        %dma_start3A_303 = arith.constant 0 : i32
        %dma_start3A_304 = arith.constant 0 : i32
        %dma_start3A_305 = tpu.memref_slice %arg2[%dma_start3A_303, %dma_start3A_304] : memref<8192x1024xf32, #tpu.memory_space<hbm>> -> memref<8192x1024xf32, #tpu.memory_space<hbm>>
        tpu.enqueue_indirect_dma source(%dma_start3A_305 : memref<8192x1024xf32, #tpu.memory_space<hbm>>) target(%arg8 : memref<8x1024xf32, #tpu.memory_space<vmem>>) offsets(%dma_start3A_302 : memref<8xi32, #tpu.memory_space<vmem>>) semaphore(%arg16 : memref<!tpu.dma_semaphore, #tpu.memory_space<semaphore_mem>>)
      } else {
      }
      %mul3A_244 = arith.constant 8 : i32
      %mul3A_245 = arith.muli %scan3A_75, %mul3A_244 : i32
      %add3A_246 = arith.constant 6 : i32
      %add3A_247 = arith.addi %mul3A_245, %add3A_246 : i32
      %dma_wait3A_248 = arith.constant 0 : i32
      %dma_wait3A_249 = arith.constant 0 : i32
      %dma_wait3A_250 = tpu.memref_slice %arg2[%dma_wait3A_248, %dma_wait3A_249] : memref<8192x1024xf32, #tpu.memory_space<hbm>> -> memref<8x1024xf32, #tpu.memory_space<hbm>>
      %dma_wait3A_251 = arith.constant 0 : i32
      %dma_wait3A_252 = arith.constant 0 : i32
      %dma_wait3A_253 = tpu.memref_slice %arg2[%dma_wait3A_251, %dma_wait3A_252] : memref<8192x1024xf32, #tpu.memory_space<hbm>> -> memref<8x1024xf32, #tpu.memory_space<hbm>>
      tpu.wait_dma2 semaphore(%arg20 : memref<!tpu.dma_semaphore, #tpu.memory_space<semaphore_mem>>) src(%dma_wait3A_253 : memref<8x1024xf32, #tpu.memory_space<hbm>>) dst(%arg12 : memref<8x1024xf32, #tpu.memory_space<vmem>>)
      %mul3A_254 = arith.constant 8 : i32
      %mul3A_255 = arith.muli %add3A_247, %mul3A_254 : i32
      %add3A_256 = arith.addi %mul3A_2, %mul3A_255 : i32
      %dma_start3A_257 = arith.constant 0 : i32
      %dma_start3A_258 = tpu.memref_slice %arg4[%add3A_256, %dma_start3A_257] : memref<32768x1024xf32, #tpu.memory_space<hbm>> -> memref<8x1024xf32, #tpu.memory_space<hbm>>
      %dma_start3A_259 = arith.constant 0 : i32
      %dma_start3A_260 = tpu.memref_slice %arg4[%add3A_256, %dma_start3A_259] : memref<32768x1024xf32, #tpu.memory_space<hbm>> -> memref<8x1024xf32, #tpu.memory_space<hbm>>
      tpu.enqueue_dma source(%arg12 : memref<8x1024xf32, #tpu.memory_space<vmem>>) target(%dma_start3A_260 : memref<8x1024xf32, #tpu.memory_space<hbm>>) target_semaphore(%arg28 : memref<!tpu.dma_semaphore, #tpu.memory_space<semaphore_mem>>)
      %add3A_261 = arith.constant 5 : i32
      %add3A_262 = arith.addi %add3A_247, %add3A_261 : i32
      %dma_wait3A_263 = arith.constant 0 : i32
      %dma_wait3A_264 = tpu.memref_slice %arg4[%mul3A_2, %dma_wait3A_263] : memref<32768x1024xf32, #tpu.memory_space<hbm>> -> memref<8x1024xf32, #tpu.memory_space<hbm>>
      %dma_wait3A_265 = arith.constant 0 : i32
      %dma_wait3A_266 = tpu.memref_slice %arg4[%mul3A_2, %dma_wait3A_265] : memref<32768x1024xf32, #tpu.memory_space<hbm>> -> memref<8x1024xf32, #tpu.memory_space<hbm>>
      tpu.wait_dma2 semaphore(%arg25 : memref<!tpu.dma_semaphore, #tpu.memory_space<semaphore_mem>>) src(%arg9 : memref<8x1024xf32, #tpu.memory_space<vmem>>) dst(%dma_wait3A_266 : memref<8x1024xf32, #tpu.memory_space<hbm>>)
      %lt3A_267 = arith.constant 128 : i32
      %lt3A_268 = arith.cmpi slt, %add3A_262, %lt3A_267 : i32
      %convert_element_type3A_269 = arith.extui %lt3A_268 : i1 to i32
      %cond3A_270 = arith.constant 0 : i32
      %cond3A_271 = arith.cmpi ne, %convert_element_type3A_269, %cond3A_270 : i32
      scf.if %cond3A_271 {
        %mul3A_300 = arith.constant 8 : i32
        %mul3A_301 = arith.muli %add3A_262, %mul3A_300 : i32
        %dma_start3A_302 = tpu.memref_slice %arg5[%mul3A_301] : memref<1024xi32, #tpu.memory_space<vmem>> -> memref<8xi32, #tpu.memory_space<vmem>>
        %dma_start3A_303 = arith.constant 0 : i32
        %dma_start3A_304 = arith.constant 0 : i32
        %dma_start3A_305 = tpu.memref_slice %arg2[%dma_start3A_303, %dma_start3A_304] : memref<8192x1024xf32, #tpu.memory_space<hbm>> -> memref<8192x1024xf32, #tpu.memory_space<hbm>>
        tpu.enqueue_indirect_dma source(%dma_start3A_305 : memref<8192x1024xf32, #tpu.memory_space<hbm>>) target(%arg9 : memref<8x1024xf32, #tpu.memory_space<vmem>>) offsets(%dma_start3A_302 : memref<8xi32, #tpu.memory_space<vmem>>) semaphore(%arg17 : memref<!tpu.dma_semaphore, #tpu.memory_space<semaphore_mem>>)
      } else {
      }
      %mul3A_272 = arith.constant 8 : i32
      %mul3A_273 = arith.muli %scan3A_75, %mul3A_272 : i32
      %add3A_274 = arith.constant 7 : i32
      %add3A_275 = arith.addi %mul3A_273, %add3A_274 : i32
      %dma_wait3A_276 = arith.constant 0 : i32
      %dma_wait3A_277 = arith.constant 0 : i32
      %dma_wait3A_278 = tpu.memref_slice %arg2[%dma_wait3A_276, %dma_wait3A_277] : memref<8192x1024xf32, #tpu.memory_space<hbm>> -> memref<8x1024xf32, #tpu.memory_space<hbm>>
      %dma_wait3A_279 = arith.constant 0 : i32
      %dma_wait3A_280 = arith.constant 0 : i32
      %dma_wait3A_281 = tpu.memref_slice %arg2[%dma_wait3A_279, %dma_wait3A_280] : memref<8192x1024xf32, #tpu.memory_space<hbm>> -> memref<8x1024xf32, #tpu.memory_space<hbm>>
      tpu.wait_dma2 semaphore(%arg21 : memref<!tpu.dma_semaphore, #tpu.memory_space<semaphore_mem>>) src(%dma_wait3A_281 : memref<8x1024xf32, #tpu.memory_space<hbm>>) dst(%arg13 : memref<8x1024xf32, #tpu.memory_space<vmem>>)
      %mul3A_282 = arith.constant 8 : i32
      %mul3A_283 = arith.muli %add3A_275, %mul3A_282 : i32
      %add3A_284 = arith.addi %mul3A_2, %mul3A_283 : i32
      %dma_start3A_285 = arith.constant 0 : i32
      %dma_start3A_286 = tpu.memref_slice %arg4[%add3A_284, %dma_start3A_285] : memref<32768x1024xf32, #tpu.memory_space<hbm>> -> memref<8x1024xf32, #tpu.memory_space<hbm>>
      %dma_start3A_287 = arith.constant 0 : i32
      %dma_start3A_288 = tpu.memref_slice %arg4[%add3A_284, %dma_start3A_287] : memref<32768x1024xf32, #tpu.memory_space<hbm>> -> memref<8x1024xf32, #tpu.memory_space<hbm>>
      tpu.enqueue_dma source(%arg13 : memref<8x1024xf32, #tpu.memory_space<vmem>>) target(%dma_start3A_288 : memref<8x1024xf32, #tpu.memory_space<hbm>>) target_semaphore(%arg29 : memref<!tpu.dma_semaphore, #tpu.memory_space<semaphore_mem>>)
      %add3A_289 = arith.constant 5 : i32
      %add3A_290 = arith.addi %add3A_275, %add3A_289 : i32
      %dma_wait3A_291 = arith.constant 0 : i32
      %dma_wait3A_292 = tpu.memref_slice %arg4[%mul3A_2, %dma_wait3A_291] : memref<32768x1024xf32, #tpu.memory_space<hbm>> -> memref<8x1024xf32, #tpu.memory_space<hbm>>
      %dma_wait3A_293 = arith.constant 0 : i32
      %dma_wait3A_294 = tpu.memref_slice %arg4[%mul3A_2, %dma_wait3A_293] : memref<32768x1024xf32, #tpu.memory_space<hbm>> -> memref<8x1024xf32, #tpu.memory_space<hbm>>
      tpu.wait_dma2 semaphore(%arg26 : memref<!tpu.dma_semaphore, #tpu.memory_space<semaphore_mem>>) src(%arg10 : memref<8x1024xf32, #tpu.memory_space<vmem>>) dst(%dma_wait3A_294 : memref<8x1024xf32, #tpu.memory_space<hbm>>)
      %lt3A_295 = arith.constant 128 : i32
      %lt3A_296 = arith.cmpi slt, %add3A_290, %lt3A_295 : i32
      %convert_element_type3A_297 = arith.extui %lt3A_296 : i1 to i32
      %cond3A_298 = arith.constant 0 : i32
      %cond3A_299 = arith.cmpi ne, %convert_element_type3A_297, %cond3A_298 : i32
      scf.if %cond3A_299 {
        %mul3A_300 = arith.constant 8 : i32
        %mul3A_301 = arith.muli %add3A_290, %mul3A_300 : i32
        %dma_start3A_302 = tpu.memref_slice %arg5[%mul3A_301] : memref<1024xi32, #tpu.memory_space<vmem>> -> memref<8xi32, #tpu.memory_space<vmem>>
        %dma_start3A_303 = arith.constant 0 : i32
        %dma_start3A_304 = arith.constant 0 : i32
        %dma_start3A_305 = tpu.memref_slice %arg2[%dma_start3A_303, %dma_start3A_304] : memref<8192x1024xf32, #tpu.memory_space<hbm>> -> memref<8192x1024xf32, #tpu.memory_space<hbm>>
        tpu.enqueue_indirect_dma source(%dma_start3A_305 : memref<8192x1024xf32, #tpu.memory_space<hbm>>) target(%arg10 : memref<8x1024xf32, #tpu.memory_space<vmem>>) offsets(%dma_start3A_302 : memref<8xi32, #tpu.memory_space<vmem>>) semaphore(%arg18 : memref<!tpu.dma_semaphore, #tpu.memory_space<semaphore_mem>>)
      } else {
      }
    }
    %scan3A_63 = arith.constant 16 : i32
    %dma_wait3A = arith.constant 0 : i32
    %dma_wait3A_64 = tpu.memref_slice %arg4[%mul3A_2, %dma_wait3A] : memref<32768x1024xf32, #tpu.memory_space<hbm>> -> memref<8x1024xf32, #tpu.memory_space<hbm>>
    %dma_wait3A_65 = arith.constant 0 : i32
    %dma_wait3A_66 = tpu.memref_slice %arg4[%mul3A_2, %dma_wait3A_65] : memref<32768x1024xf32, #tpu.memory_space<hbm>> -> memref<8x1024xf32, #tpu.memory_space<hbm>>
    tpu.wait_dma2 semaphore(%arg27 : memref<!tpu.dma_semaphore, #tpu.memory_space<semaphore_mem>>) src(%arg11 : memref<8x1024xf32, #tpu.memory_space<vmem>>) dst(%dma_wait3A_66 : memref<8x1024xf32, #tpu.memory_space<hbm>>)
    %dma_wait3A_67 = arith.constant 0 : i32
    %dma_wait3A_68 = tpu.memref_slice %arg4[%mul3A_2, %dma_wait3A_67] : memref<32768x1024xf32, #tpu.memory_space<hbm>> -> memref<8x1024xf32, #tpu.memory_space<hbm>>
    %dma_wait3A_69 = arith.constant 0 : i32
    %dma_wait3A_70 = tpu.memref_slice %arg4[%mul3A_2, %dma_wait3A_69] : memref<32768x1024xf32, #tpu.memory_space<hbm>> -> memref<8x1024xf32, #tpu.memory_space<hbm>>
    tpu.wait_dma2 semaphore(%arg28 : memref<!tpu.dma_semaphore, #tpu.memory_space<semaphore_mem>>) src(%arg12 : memref<8x1024xf32, #tpu.memory_space<vmem>>) dst(%dma_wait3A_70 : memref<8x1024xf32, #tpu.memory_space<hbm>>)
    %dma_wait3A_71 = arith.constant 0 : i32
    %dma_wait3A_72 = tpu.memref_slice %arg4[%mul3A_2, %dma_wait3A_71] : memref<32768x1024xf32, #tpu.memory_space<hbm>> -> memref<8x1024xf32, #tpu.memory_space<hbm>>
    %dma_wait3A_73 = arith.constant 0 : i32
    %dma_wait3A_74 = tpu.memref_slice %arg4[%mul3A_2, %dma_wait3A_73] : memref<32768x1024xf32, #tpu.memory_space<hbm>> -> memref<8x1024xf32, #tpu.memory_space<hbm>>
    tpu.wait_dma2 semaphore(%arg29 : memref<!tpu.dma_semaphore, #tpu.memory_space<semaphore_mem>>) src(%arg13 : memref<8x1024xf32, #tpu.memory_space<vmem>>) dst(%dma_wait3A_74 : memref<8x1024xf32, #tpu.memory_space<hbm>>)
    return
  }
}

</mosaic_0001>

<sc_bundles>
// kernel: kernel.3.cloned.1.call-start
scs
__scs_entry_jumppad:
0x0: {  	(pc) =	sbr.rel $0x88, $3  }
0x1: {  	(tag) =	ssettag $0x0;
	lr =	simm.s32 $0x1  }
0x2: {  	[smem:$0x3F9F] =	sst lr;
	_ =	strace $0xD0000000  }
0x3: {  	_ = 	snop  }
0x4: {  	_ = 	snop  }
0x5: {  	_ = 	snop  }
0x6: {  	_ = 	snop  }
0x7: {  	_ = 	snop  }
__scs_overlays_trampoline_lowered:
0x8: {  	[smem:$0x3FAE] =	sst s0  }
0x9: {  	[smem:$0x3FAF] =	sst s1  }
0xa: {  	[smem:$0x3FB0] =	sst s2  }
0xb: {  	[smem:$0x3FB1] =	sst s3  }
0xc: {  	[smem:$0x3FB2] =	sst s4  }
0xd: {  	[smem:$0x3FB3] =	sst s5  }
0xe: {  	[smem:$0x3FB4] =	sst s6  }
0xf: {  	[smem:$0x3FB5] =	sst s7  }
0x10: {  	[smem:$0x3FB6] =	sst s8  }
0x11: {  	[smem:$0x3FB7] =	sst s9;
	s0 =	simm.s32 @!p0 $0x0  }
0x12: {  	s1 =	sld [smem:$0x3F9D];
	s0 =	simm.s32 @p0 $0x1  }
0x13: {  	[smem:$0x3FB8] =	sst s0;
	s0 =	simm.s32 @!p1 $0x0  }
0x14: {  	s2 =	sld [smem:$0x3F9C];
	s0 =	simm.s32 @p1 $0x1  }
0x15: {  	[smem:$0x3FB9] =	sst s0;
	s0 =	simm.s32 @!p2 $0x0  }
0x16: {  	s3 =	sld [smem:$0x3FDB];
	s0 =	simm.s32 @p2 $0x1  }
0x17: {  	s4 =	simm.s32 $0x1BF5;
	[smem:$0x3FBB] =	sst s0  }
0x18: {  	s0 =	sld [smem:$0x3F9E];
	_ =	swait.ge [sflag:s4], $0x0  }
0x19: {  	s7 =	sld [smem:$0x3F9F]  }
0x1a: {  	s8 =	sadd.s32 $0xFFFFE003, lr  }
0x1b: {  	s9 =	sadd.s32 $0xFFFFFEF7, lr;
	s5 =	simm.s32 $0xFFFFFFFF;
	p2 =	slt.u32 s8, $0xFFFFF086  }
0x1c: {  	p1 =	slt.u32 s9, $0xF7A;
	s5 =	simm.s32 @!p2 $0x0  }
0x1d: {  	s5 =	simm.s32 @p1 $0x1;
	p0 =	seq.s32 s7, s2  }
0x1e: {  	s7 =	smul.u32 @!p0 $0xF7A, s2;
	p2 =	seq.s32 @!p0 s5, $0x0  }
0x1f: {  	s9 =	smul.u32 $0xF7A, s1;
	s8 =	simm.s32 @!p0 $0x1BF5;
	p2 =	por !p2, p0  }
0x20: {  	[sflag:s8] =	ssyncset.s32 @!p0 $0xFFFFF086;
	s6 =	sadd.s32 @!p0 s3, s7;
	s7 =	simm.s32 @!p0 $0x108  }
0x21: {  	s3 =	sadd.s32 s3, s9;
	s6 =	sadd.s32 @!p0 $0x88, s6;
	s7 =	simm.s32 @p2 $0x1082  }
0x22: {  	[simem:s7], [sflag:s8] =	dma.local @!p0 [hbm:s6], $0xF7A  }
0x23: {  	s9 =	sor.u32 $0xD0000000, s2;
	s6 =	simm.s32 $0x108;
	_ =	swait.ge @!p0 [sflag:s8], $0x0  }
0x24: {  	s3 =	sadd.s32 $0x88, s3;
	s6 =	simm.s32 @!p1 $0x1082;
	[sflag:s4] =	ssyncset.s32 $0xFFFFF086  }
0x25: {  	[simem:s6], [sflag:s4] =	dma.local [hbm:s3], $0xF7A  }
0x26: {  	[smem:$0x3F9F] =	sst s1;
	(tag) =	ssettag s2;
	_ =	strace s9  }
0x27: {  	s1 =	sld [smem:$0x3FAF]  }
0x28: {  	s2 =	sld [smem:$0x3FB0]  }
0x29: {  	s4 =	sld [smem:$0x3FB2]  }
0x2a: {  	p0 =	seq.s32 s5, $0x0;
	s5 =	sld [smem:$0x3FB3]  }
0x2b: {  	s6 =	sld [smem:$0x3FB4]  }
0x2c: {  	s7 =	sld [smem:$0x3FB5]  }
0x2d: {  	s3 =	simm.s32 $0x108;
	s8 =	sld [smem:$0x3FB6]  }
0x2e: {  	s3 =	simm.s32 @!p0 $0x1082;
	s9 =	sld [smem:$0x3FB7]  }
0x2f: {  	lr =	sadd.s32 s0, s3;
	s0 =	sld [smem:$0x3FAE]  }
0x30: {  	s3 =	sld [smem:$0x3FB1]  }
0x31: {  	[smem:$0x3FBA] =	sst s10  }
0x32: {  	s10 =	sld [smem:$0x3FB8];
	_ =	sdelay $0x3  }
0x33: {  	p0 =	seq.s32 s10, $0x1;
	s10 =	sld [smem:$0x3FBA];
	_ =	sdelay $0x3  }
0x34: {  	[smem:$0x3FBA] =	sst s10  }
0x35: {  	s10 =	sld [smem:$0x3FB9];
	_ =	sdelay $0x3  }
0x36: {  	p1 =	seq.s32 s10, $0x1;
	s10 =	sld [smem:$0x3FBA];
	_ =	sdelay $0x3  }
0x37: {  	[smem:$0x3FBA] =	sst s10  }
0x38: {  	s10 =	sld [smem:$0x3FBB]  }
0x39: {  	_ = 	snop;
	(pc) =	sbr.ind lr, $3  }
0x3a: {  	_ = 	snop  }
0x3b: {  	_ = 	snop  }
0x3c: {  	p2 =	seq.s32 s10, $0x1;
	s10 =	sld [smem:$0x3FBA]  }
0x3d: {  	_ =	shalt  }
0x3e: {  	_ =	shalt  }
0x3f: {  	_ =	shalt  }
0x40: {  	_ =	shalt  }
0x41: {  	_ =	shalt  }
0x42: {  	_ =	shalt  }
0x43: {  	_ =	shalt  }
0x44: {  	_ =	shalt  }
0x45: {  	_ =	shalt  }
0x46: {  	_ =	shalt  }
0x47: {  	_ =	shalt  }
0x48: {  	_ =	shalt  }
0x49: {  	_ =	shalt  }
0x4a: {  	_ =	shalt  }
0x4b: {  	_ =	shalt  }
0x4c: {  	_ =	shalt  }
0x4d: {  	_ =	shalt  }
0x4e: {  	_ =	shalt  }
0x4f: {  	_ =	shalt  }
0x50: {  	_ =	shalt  }
0x51: {  	_ =	shalt  }
0x52: {  	_ =	shalt  }
0x53: {  	_ =	shalt  }
0x54: {  	_ =	shalt  }
0x55: {  	_ =	shalt  }
0x56: {  	_ =	shalt  }
0x57: {  	_ =	shalt  }
0x58: {  	_ =	shalt  }
0x59: {  	_ =	shalt  }
0x5a: {  	_ =	shalt  }
0x5b: {  	_ =	shalt  }
0x5c: {  	_ =	shalt  }
0x5d: {  	_ =	shalt  }
0x5e: {  	_ =	shalt  }
0x5f: {  	_ =	shalt  }
0x60: {  	_ =	shalt  }
0x61: {  	_ =	shalt  }
0x62: {  	_ =	shalt  }
0x63: {  	_ =	shalt  }
0x64: {  	_ =	shalt  }
0x65: {  	_ =	shalt  }
0x66: {  	_ =	shalt  }
0x67: {  	_ =	shalt  }
0x68: {  	_ =	shalt  }
0x69: {  	_ =	shalt  }
0x6a: {  	_ =	shalt  }
0x6b: {  	_ =	shalt  }
0x6c: {  	_ =	shalt  }
0x6d: {  	_ =	shalt  }
0x6e: {  	_ =	shalt  }
0x6f: {  	_ =	shalt  }
0x70: {  	_ =	shalt  }
0x71: {  	_ =	shalt  }
0x72: {  	_ =	shalt  }
0x73: {  	_ =	shalt  }
0x74: {  	_ =	shalt  }
0x75: {  	_ =	shalt  }
0x76: {  	_ =	shalt  }
0x77: {  	_ =	shalt  }
0x78: {  	_ =	shalt  }
0x79: {  	_ =	shalt  }
0x7a: {  	_ =	shalt  }
0x7b: {  	_ =	shalt  }
0x7c: {  	_ =	shalt  }
0x7d: {  	_ =	shalt  }
0x7e: {  	_ =	shalt  }
0x7f: {  	_ =	shalt  }
0x80: {  	_ =	shalt  }
0x81: {  	_ =	shalt  }
0x82: {  	_ =	shalt  }
0x83: {  	_ =	shalt  }
0x84: {  	_ =	shalt  }
0x85: {  	_ =	shalt  }
0x86: {  	_ =	shalt  }
0x87: {  	_ =	shalt  }
.Lfunc_end0:
.L_simem_size_0:
called_computation_lowered:
.L_overlay_start_0:
0x88: {  	s2 =	sld [smem:$0x3FD9]  }
0x89: {  	s3 =	sld [smem:$0x3FFE];
	_ =	sdelay $0x1  }
0x8a: {  	s1 =	srdreg.scid  }
0x8b: {  	s0 =	sand.u32 $0x1, s1  }
0x8c: {  	s18 =	sshll.u32 s0, $0xA;
	s2 =	sadd.s32 s3, s2  }
0x8d: {  	s2 =	sadd.s32 s2, s18  }
0x8e: {  	[smem:$0x3FC6] =	sst s2  }
0x8f: {  	_ = 	snop  }
0x90: {  	s2 =	sld [smem:$0x3FC9]  }
0x91: {  	s19 =	sld [smem:$0x3FC8]  }
0x92: {  	s4 =	sld [smem:$0x3FD0];
	(tm) =	ssettm $0x1  }
0x93: {  	s5 =	sld [smem:$0x3FFB];
	_ =	sdelay $0x3  }
0x94: {  	_ =	strace s5  }
0x95: {  	s5 =	sld [smem:$0x3FFC];
	_ =	sdelay $0x3  }
0x96: {  	_ =	strace s5  }
0x97: {  	s5 =	sld [smem:$0x3FFD];
	_ =	sdelay $0x3  }
0x98: {  	_ =	strace s5  }
0x99: {  	_ =	strace $0x8FFFFFFF  }
0x9a: {  	s20 =	sld [smem:$0x3FDB];
	_ =	sdelay $0x1  }
0x9b: {  	s6 =	simm.s32 $_scs_section_size  }
0x9c: {  	s7 =	simm.s32 $_size__tile_overlayer_lowered;
	s8 =	simm.s32 $_tile_overlayer_lowered  }
0x9d: {  	s23 =	simm.s32 $0x1BFF;
	s22 =	sshll.u32 s8, $0x1;
	s5 =	sadd.s32 s6, s20  }
0x9e: {  	s9 =	simm.s32 $0x0;
	s21 =	sshll.u32 s7, $0x1;
	s7 =	sadd.s32 s22, s5  }
0x9f: {  	[timem:s9], [sflag:s23] =	dma.local [hbm:s7], s21  }
0xa0: {  	_ =	swait.ge [sflag:s23], s21  }
0xa1: {  	s6 =	ssub.s32 $0x0, s21;
	[sflag:s23] =	ssyncset.done $0x0  }
0xa2: {  	[sflag:s23] =	ssyncadd.s32 s6;
	_ =	sdelay $0x1  }
0xa3: {  	s24 =	simm.s32 $0x1B8B  }
0xa4: {  	_ =	swait.ge [sflag:s24], $0x1  }
0xa5: {  	[sflag:s24] =	ssyncset.done $0x0  }
0xa6: {  	s25 =	simm.s32 $0x1B8E;
	[sflag:s24] =	ssyncadd.s32 $0xFFFFFFFF  }
0xa7: {  	s26 =	simm.s32 $execute0_lowered;
	[smem:$0x3FD2] =	sst s25  }
0xa8: {  	s6 =	sshll.u32 s26, $0x1;
	_ =	strace $0x80000046;
	[dreg:$0x1] =	wrdreg $0xFFFFFFFF  }
0xa9: {  	s28 =	simm.s32 $_size_execute0_lowered;
	s5 =	sadd.s32 s5, s6;
	[dreg:$0x0] =	wrdreg $0x0  }
0xaa: {  	s6 =	sshll.u32 s28, $0x1;
	[dreg:$0x2] =	wrdreg s5  }
0xab: {  	[dreg:$0x3] =	wrdreg s6  }
0xac: {  	[dreg:$0x4] =	wrdreg $0xC0  }
0xad: {  	_ =	task [dreg:s9], $0x5FFFF  }
0xae: {  	[dreg:$0x1] =	wrdreg $0xFFFFFFFF  }
0xaf: {  	[dreg:$0x0] =	wrdreg $0x60  }
0xb0: {  	[dreg:$0x2] =	wrdreg s19  }
0xb1: {  	[dreg:$0x3] =	wrdreg s2  }
0xb2: {  	[dreg:$0x4] =	wrdreg s4  }
0xb3: {  	[dreg:$0x5] =	wrdreg $0x9  }
0xb4: {  	_ =	task.clear_ibuf [dreg:s9], $0x6FFFF;
	_ =	strace $0x90000046  }
0xb5: {  	s29 =	simm.s32 $0x9;
	_ =	strace $0x80000048  }
0xb6: {  	_ =	swait.ge [sflag:s29], $0x1  }
0xb7: {  	[sflag:s29] =	ssyncadd.s32 $0xFFFFFFFF  }
0xb8: {  	_ =	strace $0x90000048  }
0xb9: {  	_ =	sfence  }
0xba: {  	s30 =	sld [smem:$0x0];
	_ =	sdelay $0x2  }
0xbb: {  	s31 =	sshll.u32 s1, $0xD;
	s1 =	sshrl.u32 s1, $0x2  }
0xbc: {  	s3 =	sand.u32 $0x4000, s31;
	s1 =	sadd.s32 s1, s30  }
0xbd: {  	s0 =	sor.u32 s3, s0;
	s1 =	sshll.u32 s1, $0x11  }
0xbe: {  	s0 =	sor.u32 s1, s0  }
0xbf: {  	s0 =	sadd.s32 $0x8F2B, s0  }
0xc0: {  	[sflag:s0] =	ssyncadd.remote.s32 $0x1  }
0xc1: {  	_ =	sfence.sel $0xFFFF  }
0xc2: {  	[dreg:$0x0] =	wrdreg $0xFFFFFFFF;
	(pc) =	sbr.abs _section_cstart, $3  }
0xc3: {  	[dreg:$0x1] =	wrdreg $0xFFFFFFFF  }
0xc4: {  	_ =	task.clear_ibuf [dreg:s9], $0x2FFFF;
	_ =	strace $0x9FFFFFFF  }
0xc5: {  	(tm) =	ssettm $0x7FFFFFFF  }
tec
execute0_lowered:
.L_overlay_start_1:
0x0: {  	(tag) =	ssettag $0x1  }
0x1: {  	s1 =	rddreg [dreg:$0x0]  }
0x2: {  	s0 =	rddreg [dreg:$0x1]  }
0x3: {  	s2 =	rddreg [dreg:$0x2];
	s3 =	simm.s32 $0x0  }
0x4: {  	s4 =	srdreg.scid;
	s9 =	stileid.u32;
	s30 =	simm.s32 $0x8400  }
0x5: {  	s10 =	simm.s32 $0x1;
	s11 =	simm.s32 $0xA400;
	s18 =	simm.s32 $0x2  }
0x6: {  	s19 =	simm.s32 $0xC400;
	s28 =	simm.s32 $0xEC00;
	s29 =	simm.s32 $0xF400  }
0x7: {  	s12 =	simm.s32 $0x9;
	s13 =	simm.s32 $0x5;
	s17 =	simm.s32 $0xA  }
0x8: {  	s31 =	simm.s32 $0x6;
	s21 =	simm.s32 $0x7;
	s14 =	simm.s32 $0xD  }
0x9: {  	s20 =	simm.s32 $0x0;
	[smem:$0x7FF] =	sst s3;
	s4 =	sand.u32 $0x1, s4  }
0xa: {  	s5 =	sshll.u32 s9, $0xA;
	s7 =	sshll.u32 s9, $0x2;
	s24 =	sshll.u32 s9, $0x12  }
0xb: {  	s6 =	sshll.u32 s4, $0x9;
	s8 =	ssub.s32 $0x2, s4;
	s22 =	sand.u32 $0x30, s7  }
0xc: {  	_ =	strace $0x80000047;
	s7 =	sadd.s32 $0x300, s1;
	s25 =	sshll.u32 s4, $0x11  }
0xd: {  	s4 =	simm.s32 $0xFC00;
	s5 =	sor.u32 s6, s5;
	s23 =	sshrl.u32 s8, $0x1  }
0xe: {  	s0 =	sadd.s32 s0, s22;
	s6 =	sadd.s32 $0x200, s1;
	s5 =	sand.u32 $0xE00, s5  }
.Ltmp0:
0xf: {  	s8 =	ssub.s32 s8, s23;
	s0 =	sadd.s32 s5, s0;
	(pc) =	sbr.rel .LBB2_1-.Ltmp0, $4  }
0x10: {  	s5 =	sadd.s32 $0x100, s1;
	s26 =	smax.u32 s8, $0x1;
	[dreg:$0x4] =	wrdreg s0  }
0x11: {  	v0 =	vlaneseq.u32;
	s8 =	simm.s32 $0x4;
	s0 =	sadd.s32 s24, s2;
	[dreg:$0x5] =	wrdreg s26  }
0x12: {  	v1 =	vshrl.u32 v0, $0x3;
	s24 =	simm.s32 $0x3;
	s26 =	simm.s32 $0xE400;
	s2 =	simm.s32 $0xC  }
0x13: {  	vm0 =	vmmov $0xffff;
	v0 =	vand.u32 $0x7, v0;
	v1 =	vmul.u32 $0x8, v1;
	s9 =	sadd.s32 s25, s0;
	s0 =	simm.s32 $0xB;
	s25 =	simm.s32 $0x8  }
.LBB2_4:
0x14: {  	s15 =	simm.s32 $0xE  }
0x15: {  	_ =	swait.ge [sflag:s15], $0x2000  }
0x16: {  	[sflag:s15] =	ssyncset.done $0x0  }
0x17: {  	s22 =	simm.s32 $0xF;
	[sflag:s15] =	ssyncadd.s32 $0xFFFFE000  }
0x18: {  	_ =	swait.ge [sflag:s22], $0x2000  }
0x19: {  	[sflag:s22] =	ssyncset.done $0x0  }
0x1a: {  	s16 =	simm.s32 $0x10;
	[sflag:s22] =	ssyncadd.s32 $0xFFFFE000  }
0x1b: {  	_ =	swait.ge [sflag:s16], $0x2000  }
0x1c: {  	s20 =	rddreg [dreg:$0x6]  }
0x1d: {  	s23 =	rddreg [dreg:$0x5];
	s20 =	sadd.s32 $0x1, s20  }
0x1e: {  	p0 =	sne.s32 s20, s23  }
.Ltmp1:
0x1f: {  	_ = 	snop;
	(pc) =	sbr.rel @!p0 .LBB2_5-.Ltmp1, $3  }
0x20: {  	_ =	sdelay $0x1  }
0x21: {  	[sflag:s16] =	ssyncset.done $0x0  }
0x22: {  	[sflag:s16] =	ssyncadd.s32 $0xFFFFE000  }
.LBB2_1:
0x23: {  	s15 =	rddreg [dreg:$0x4];
	s16 =	simm.s32 $0x80;
	s23 =	simm.s32 $0x200  }
0x24: {  	[tilespmem:s3], [sflag:$0x11] =	stream.strided.gather [hbm4b:s15+s16], $0x400, s23, s16, $0x38;
	[tilespmem:$0x10400] =	vst v63  }
0x25: {  	[dreg:$0x6] =	wrdreg s20;
	s16 =	simm.s32 $0x11  }
0x26: {  	_ =	swait.ge [sflag:s16], $0x400  }
0x27: {  	[sflag:s16] =	ssyncset.done $0x0  }
0x28: {  	[sflag:s16] =	ssyncadd.s32 $0xFFFFFC00  }
0x29: {  	v2 =	vld.msk [tilespmem:$0x0], $0xff;
	_ =	sdelay $0x4  }
0x2a: {  	v3 =	vshll.u32 v2, $0x3  }
0x2b: {  	v2 =	vand.u32 $0x7, v2;
	v3 =	vand.u32 $0xFFFFFFC0, v3  }
0x2c: {  	v2 =	vor.u32 v2, v3  }
0x2d: {  	v2 =	vperm.xlane v2, v0;
	_ =	sdelay $0x1  }
0x2e: {  	v2 =	vadd.s32 v1, v2;
	_ =	sdelay $0x3  }
0x2f: {  	s20 =	simm.s32 $0x400  }
0x30: {  	[tilespmem:s20], [sflag:$0x1] =	stream.indirect_vreg.gather [hbm4b:s1+s3], $0x80, v2, vm0, $0xb8;
	[tilespmem:$0x10400] =	vst v63  }
0x31: {  	s22 =	simm.s32 $0xC00  }
0x32: {  	[tilespmem:s22], [sflag:$0x1] =	stream.indirect_vreg.gather [hbm4b:s5+s3], $0x80, v2, vm0, $0xb8;
	[tilespmem:$0x10400] =	vst v63  }
0x33: {  	s23 =	simm.s32 $0x1400  }
0x34: {  	[tilespmem:s23], [sflag:$0x1] =	stream.indirect_vreg.gather [hbm4b:s6+s3], $0x80, v2, vm0, $0xb8;
	[tilespmem:$0x10400] =	vst v63  }
0x35: {  	s16 =	simm.s32 $0x1C00  }
0x36: {  	[tilespmem:s16], [sflag:$0x1] =	stream.indirect_vreg.gather [hbm4b:s7+s3], $0x80, v2, vm0, $0xb8;
	[tilespmem:$0x10400] =	vst v63  }
0x37: {  	v2 =	vld.msk [tilespmem:$0x8], $0xff;
	_ =	sdelay $0x4  }
0x38: {  	v3 =	vshll.u32 v2, $0x3  }
0x39: {  	v2 =	vand.u32 $0x7, v2;
	v3 =	vand.u32 $0xFFFFFFC0, v3  }
0x3a: {  	v2 =	vor.u32 v2, v3  }
0x3b: {  	v2 =	vperm.xlane v2, v0;
	_ =	sdelay $0x1  }
0x3c: {  	v2 =	vadd.s32 v1, v2;
	_ =	sdelay $0x3  }
0x3d: {  	s20 =	simm.s32 $0x2400  }
0x3e: {  	[tilespmem:s20], [sflag:$0x2] =	stream.indirect_vreg.gather [hbm4b:s1+s3], $0x80, v2, vm0, $0xb8;
	[tilespmem:$0x10400] =	vst v63  }
0x3f: {  	s22 =	simm.s32 $0x2C00  }
0x40: {  	[tilespmem:s22], [sflag:$0x2] =	stream.indirect_vreg.gather [hbm4b:s5+s3], $0x80, v2, vm0, $0xb8;
	[tilespmem:$0x10400] =	vst v63  }
0x41: {  	s23 =	simm.s32 $0x3400  }
0x42: {  	[tilespmem:s23], [sflag:$0x2] =	stream.indirect_vreg.gather [hbm4b:s6+s3], $0x80, v2, vm0, $0xb8;
	[tilespmem:$0x10400] =	vst v63  }
0x43: {  	s16 =	simm.s32 $0x3C00  }
0x44: {  	[tilespmem:s16], [sflag:$0x2] =	stream.indirect_vreg.gather [hbm4b:s7+s3], $0x80, v2, vm0, $0xb8;
	[tilespmem:$0x10400] =	vst v63  }
0x45: {  	v2 =	vld.msk [tilespmem:$0x10], $0xff;
	_ =	sdelay $0x4  }
0x46: {  	v3 =	vshll.u32 v2, $0x3  }
0x47: {  	v2 =	vand.u32 $0x7, v2;
	v3 =	vand.u32 $0xFFFFFFC0, v3  }
0x48: {  	v2 =	vor.u32 v2, v3  }
0x49: {  	v2 =	vperm.xlane v2, v0;
	_ =	sdelay $0x1  }
0x4a: {  	v2 =	vadd.s32 v1, v2;
	_ =	sdelay $0x3  }
0x4b: {  	s20 =	simm.s32 $0x4400  }
0x4c: {  	[tilespmem:s20], [sflag:$0x3] =	stream.indirect_vreg.gather [hbm4b:s1+s3], $0x80, v2, vm0, $0xb8;
	[tilespmem:$0x10400] =	vst v63  }
0x4d: {  	s22 =	simm.s32 $0x4C00  }
0x4e: {  	[tilespmem:s22], [sflag:$0x3] =	stream.indirect_vreg.gather [hbm4b:s5+s3], $0x80, v2, vm0, $0xb8;
	[tilespmem:$0x10400] =	vst v63  }
0x4f: {  	s23 =	simm.s32 $0x5400  }
0x50: {  	[tilespmem:s23], [sflag:$0x3] =	stream.indirect_vreg.gather [hbm4b:s6+s3], $0x80, v2, vm0, $0xb8;
	[tilespmem:$0x10400] =	vst v63  }
0x51: {  	s16 =	simm.s32 $0x5C00  }
0x52: {  	[tilespmem:s16], [sflag:$0x3] =	stream.indirect_vreg.gather [hbm4b:s7+s3], $0x80, v2, vm0, $0xb8;
	[tilespmem:$0x10400] =	vst v63  }
0x53: {  	v2 =	vld.msk [tilespmem:$0x18], $0xff;
	_ =	sdelay $0x4  }
0x54: {  	v3 =	vshll.u32 v2, $0x3  }
0x55: {  	v2 =	vand.u32 $0x7, v2;
	v3 =	vand.u32 $0xFFFFFFC0, v3  }
0x56: {  	v2 =	vor.u32 v2, v3  }
0x57: {  	v2 =	vperm.xlane v2, v0;
	_ =	sdelay $0x1  }
0x58: {  	v2 =	vadd.s32 v1, v2;
	_ =	sdelay $0x3  }
0x59: {  	s20 =	simm.s32 $0x6400  }
0x5a: {  	[tilespmem:s20], [sflag:$0x4] =	stream.indirect_vreg.gather [hbm4b:s1+s3], $0x80, v2, vm0, $0xb8;
	[tilespmem:$0x10400] =	vst v63  }
0x5b: {  	s22 =	simm.s32 $0x6C00  }
0x5c: {  	[tilespmem:s22], [sflag:$0x4] =	stream.indirect_vreg.gather [hbm4b:s5+s3], $0x80, v2, vm0, $0xb8;
	[tilespmem:$0x10400] =	vst v63  }
0x5d: {  	s23 =	simm.s32 $0x7400  }
0x5e: {  	[tilespmem:s23], [sflag:$0x4] =	stream.indirect_vreg.gather [hbm4b:s6+s3], $0x80, v2, vm0, $0xb8;
	[tilespmem:$0x10400] =	vst v63  }
0x5f: {  	s16 =	simm.s32 $0x7C00  }
0x60: {  	[tilespmem:s16], [sflag:$0x4] =	stream.indirect_vreg.gather [hbm4b:s7+s3], $0x80, v2, vm0, $0xb8;
	[tilespmem:$0x10400] =	vst v63  }
0x61: {  	v2 =	vld.msk [tilespmem:$0x20], $0xff;
	_ =	sdelay $0x4  }
0x62: {  	v3 =	vshll.u32 v2, $0x3  }
0x63: {  	v2 =	vand.u32 $0x7, v2;
	v3 =	vand.u32 $0xFFFFFFC0, v3  }
0x64: {  	v2 =	vor.u32 v2, v3  }
0x65: {  	v2 =	vperm.xlane v2, v0;
	_ =	sdelay $0x1  }
0x66: {  	v2 =	vadd.s32 v1, v2;
	_ =	sdelay $0x4  }
0x67: {  	[tilespmem:s30], [sflag:$0x5] =	stream.indirect_vreg.gather [hbm4b:s1+s3], $0x80, v2, vm0, $0xb8;
	[tilespmem:$0x10400] =	vst v63  }
0x68: {  	s20 =	simm.s32 $0x8C00  }
0x69: {  	[tilespmem:s20], [sflag:$0x5] =	stream.indirect_vreg.gather [hbm4b:s5+s3], $0x80, v2, vm0, $0xb8;
	[tilespmem:$0x10400] =	vst v63  }
0x6a: {  	s22 =	simm.s32 $0x9400  }
0x6b: {  	[tilespmem:s22], [sflag:$0x5] =	stream.indirect_vreg.gather [hbm4b:s6+s3], $0x80, v2, vm0, $0xb8;
	[tilespmem:$0x10400] =	vst v63  }
0x6c: {  	s15 =	simm.s32 $0x30;
	s23 =	simm.s32 $0x9C00;
	s16 =	simm.s32 $0x0  }
0x6d: {  	[tilespmem:s23], [sflag:$0x5] =	stream.indirect_vreg.gather [hbm4b:s7+s3], $0x80, v2, vm0, $0xb8;
	[tilespmem:$0x10400] =	vst v63  }
.LBB2_2:
0x6e: {  	_ =	swait.ge [sflag:s10], $0x2000  }
0x6f: {  	s20 =	sadd.s32 s16, s9;
	[sflag:s10] =	ssyncset.done $0x0  }
0x70: {  	s22 =	simm.s32 $0x400;
	p0 =	seq.s32 s16, $0x0;
	[sflag:s10] =	ssyncadd.s32 $0xFFFFE000  }
0x71: {  	[hbm4b:s20+s3] =	stream.linear.scatter [tilespmem:s22], [sflag:$0x9], $0x2000, $0x38;
	[tilespmem:$0x10400] =	vst v63  }
0x72: {  	s22 =	simm.s32 @!p0 $0xE  }
0x73: {  	_ =	swait.ge @!p0 [sflag:s22], $0x2000  }
0x74: {  	[sflag:s22] =	ssyncset.done @!p0 $0x0  }
0x75: {  	[sflag:s22] =	ssyncadd.s32 @!p0 $0xFFFFE000  }
0x76: {  	v2 =	vld.msk [tilespmem:s15+$0xFFFFFFF8], $0xff;
	_ =	sdelay $0x4  }
0x77: {  	v3 =	vshll.u32 v2, $0x3  }
0x78: {  	v2 =	vand.u32 $0x7, v2;
	v3 =	vand.u32 $0xFFFFFFC0, v3  }
0x79: {  	v2 =	vor.u32 v2, v3  }
0x7a: {  	v2 =	vperm.xlane v2, v0;
	_ =	sdelay $0x1  }
0x7b: {  	v2 =	vadd.s32 v1, v2;
	_ =	sdelay $0x4  }
0x7c: {  	[tilespmem:s11], [sflag:$0x6] =	stream.indirect_vreg.gather [hbm4b:s1+s3], $0x80, v2, vm0, $0xb8;
	[tilespmem:$0x10400] =	vst v63  }
0x7d: {  	s23 =	simm.s32 $0xAC00  }
0x7e: {  	[tilespmem:s23], [sflag:$0x6] =	stream.indirect_vreg.gather [hbm4b:s5+s3], $0x80, v2, vm0, $0xb8;
	[tilespmem:$0x10400] =	vst v63  }
0x7f: {  	s23 =	simm.s32 $0xB400  }
0x80: {  	[tilespmem:s23], [sflag:$0x6] =	stream.indirect_vreg.gather [hbm4b:s6+s3], $0x80, v2, vm0, $0xb8;
	[tilespmem:$0x10400] =	vst v63  }
0x81: {  	s23 =	simm.s32 $0xBC00  }
0x82: {  	[tilespmem:s23], [sflag:$0x6] =	stream.indirect_vreg.gather [hbm4b:s7+s3], $0x80, v2, vm0, $0xb8;
	[tilespmem:$0x10400] =	vst v63  }
0x83: {  	_ =	swait.ge [sflag:s18], $0x2000  }
0x84: {  	[sflag:s18] =	ssyncset.done $0x0  }
0x85: {  	s22 =	sadd.s32 $0x400, s20;
	s23 =	simm.s32 $0x2400;
	[sflag:s18] =	ssyncadd.s32 $0xFFFFE000  }
0x86: {  	[hbm4b:s22+s3] =	stream.linear.scatter [tilespmem:s23], [sflag:$0xA], $0x2000, $0x38;
	[tilespmem:$0x10400] =	vst v63  }
0x87: {  	s22 =	simm.s32 @!p0 $0xF  }
0x88: {  	_ =	swait.ge @!p0 [sflag:s22], $0x2000  }
0x89: {  	[sflag:s22] =	ssyncset.done @!p0 $0x0  }
0x8a: {  	[sflag:s22] =	ssyncadd.s32 @!p0 $0xFFFFE000  }
0x8b: {  	v2 =	vld.msk [tilespmem:s15+$0x0], $0xff;
	_ =	sdelay $0x4  }
0x8c: {  	v3 =	vshll.u32 v2, $0x3  }
0x8d: {  	v2 =	vand.u32 $0x7, v2;
	v3 =	vand.u32 $0xFFFFFFC0, v3  }
0x8e: {  	v2 =	vor.u32 v2, v3  }
0x8f: {  	v2 =	vperm.xlane v2, v0;
	_ =	sdelay $0x1  }
0x90: {  	v2 =	vadd.s32 v1, v2;
	_ =	sdelay $0x4  }
0x91: {  	[tilespmem:s19], [sflag:$0x7] =	stream.indirect_vreg.gather [hbm4b:s1+s3], $0x80, v2, vm0, $0xb8;
	[tilespmem:$0x10400] =	vst v63  }
0x92: {  	s23 =	simm.s32 $0xCC00  }
0x93: {  	[tilespmem:s23], [sflag:$0x7] =	stream.indirect_vreg.gather [hbm4b:s5+s3], $0x80, v2, vm0, $0xb8;
	[tilespmem:$0x10400] =	vst v63  }
0x94: {  	s23 =	simm.s32 $0xD400  }
0x95: {  	[tilespmem:s23], [sflag:$0x7] =	stream.indirect_vreg.gather [hbm4b:s6+s3], $0x80, v2, vm0, $0xb8;
	[tilespmem:$0x10400] =	vst v63  }
0x96: {  	s23 =	simm.s32 $0xDC00  }
0x97: {  	[tilespmem:s23], [sflag:$0x7] =	stream.indirect_vreg.gather [hbm4b:s7+s3], $0x80, v2, vm0, $0xb8;
	[tilespmem:$0x10400] =	vst v63  }
0x98: {  	_ =	swait.ge [sflag:s24], $0x2000  }
0x99: {  	[sflag:s24] =	ssyncset.done $0x0  }
0x9a: {  	s22 =	sadd.s32 $0x800, s20;
	s23 =	simm.s32 $0x4400;
	[sflag:s24] =	ssyncadd.s32 $0xFFFFE000  }
0x9b: {  	[hbm4b:s22+s3] =	stream.linear.scatter [tilespmem:s23], [sflag:$0xB], $0x2000, $0x38;
	[tilespmem:$0x10400] =	vst v63  }
0x9c: {  	s22 =	simm.s32 @!p0 $0x10  }
0x9d: {  	_ =	swait.ge @!p0 [sflag:s22], $0x2000  }
0x9e: {  	[sflag:s22] =	ssyncset.done @!p0 $0x0  }
0x9f: {  	[sflag:s22] =	ssyncadd.s32 @!p0 $0xFFFFE000  }
0xa0: {  	v2 =	vld.msk [tilespmem:s15+$0x8], $0xff;
	_ =	sdelay $0x4  }
0xa1: {  	v3 =	vshll.u32 v2, $0x3  }
0xa2: {  	v2 =	vand.u32 $0x7, v2;
	v3 =	vand.u32 $0xFFFFFFC0, v3  }
0xa3: {  	v2 =	vor.u32 v2, v3  }
0xa4: {  	v2 =	vperm.xlane v2, v0;
	_ =	sdelay $0x1  }
0xa5: {  	v2 =	vadd.s32 v1, v2;
	_ =	sdelay $0x4  }
0xa6: {  	[tilespmem:s26], [sflag:$0x8] =	stream.indirect_vreg.gather [hbm4b:s1+s3], $0x80, v2, vm0, $0xb8;
	[tilespmem:$0x10400] =	vst v63  }
0xa7: {  	_ = 	snop  }
0xa8: {  	[tilespmem:s28], [sflag:$0x8] =	stream.indirect_vreg.gather [hbm4b:s5+s3], $0x80, v2, vm0, $0xb8;
	[tilespmem:$0x10400] =	vst v63  }
0xa9: {  	_ = 	snop  }
0xaa: {  	[tilespmem:s29], [sflag:$0x8] =	stream.indirect_vreg.gather [hbm4b:s6+s3], $0x80, v2, vm0, $0xb8;
	[tilespmem:$0x10400] =	vst v63  }
0xab: {  	_ = 	snop  }
0xac: {  	[tilespmem:s4], [sflag:$0x8] =	stream.indirect_vreg.gather [hbm4b:s7+s3], $0x80, v2, vm0, $0xb8;
	[tilespmem:$0x10400] =	vst v63  }
0xad: {  	_ =	swait.ge [sflag:s8], $0x2000  }
0xae: {  	[sflag:s8] =	ssyncset.done $0x0  }
0xaf: {  	s23 =	simm.s32 $0x6400;
	s22 =	sadd.s32 $0xC00, s20;
	[sflag:s8] =	ssyncadd.s32 $0xFFFFE000  }
0xb0: {  	[hbm4b:s22+s3] =	stream.linear.scatter [tilespmem:s23], [sflag:$0xC], $0x2000, $0x38;
	[tilespmem:$0x10400] =	vst v63  }
0xb1: {  	_ =	swait.ge [sflag:s12], $0x2000  }
0xb2: {  	[sflag:s12] =	ssyncset.done $0x0  }
0xb3: {  	p0 =	seq.s32 s16, $0x1E000;
	[sflag:s12] =	ssyncadd.s32 $0xFFFFE000  }
0xb4: {  	v2 =	vld.msk @!p0 [tilespmem:s15+$0x10], $0xff;
	_ =	sdelay $0x4  }
0xb5: {  	v3 =	vshll.u32 @!p0 v2, $0x3  }
0xb6: {  	v4 =	vlaneseq.u32 @!p0;
	v2 =	vand.u32 @!p0 $0x7, v2;
	v3 =	vand.u32 @!p0 $0xFFFFFFC0, v3  }
0xb7: {  	v2 =	vor.u32 @!p0 v2, v3;
	v3 =	vand.u32 @!p0 $0x7, v4;
	v4 =	vshrl.u32 @!p0 v4, $0x3  }
0xb8: {  	v2 =	vperm.xlane @!p0 v2, v3;
	v4 =	vmul.u32 @!p0 $0x8, v4;
	_ =	sdelay $0x1  }
0xb9: {  	v2 =	vadd.s32 @!p0 v4, v2;
	_ =	sdelay $0x3  }
0xba: {  	vm1 =	vmmov @!p0 $0xffff;
	s22 =	simm.s32 @!p0 $0x0;
	s23 =	simm.s32 @!p0 $0x400  }
0xbb: {  	[tilespmem:s23], [sflag:$0x1] =	stream.indirect_vreg.gather @!p0 [hbm4b:s1+s22], $0x80, v2, vm1, $0xb8;
	[tilespmem:$0x10400] =	vst v63  }
0xbc: {  	s23 =	simm.s32 @!p0 $0xC00  }
0xbd: {  	[tilespmem:s23], [sflag:$0x1] =	stream.indirect_vreg.gather @!p0 [hbm4b:s5+s22], $0x80, v2, vm1, $0xb8;
	[tilespmem:$0x10400] =	vst v63  }
0xbe: {  	s23 =	simm.s32 @!p0 $0x1400  }
0xbf: {  	[tilespmem:s23], [sflag:$0x1] =	stream.indirect_vreg.gather @!p0 [hbm4b:s6+s22], $0x80, v2, vm1, $0xb8;
	[tilespmem:$0x10400] =	vst v63  }
0xc0: {  	s23 =	simm.s32 @!p0 $0x1C00  }
0xc1: {  	[tilespmem:s23], [sflag:$0x1] =	stream.indirect_vreg.gather @!p0 [hbm4b:s7+s22], $0x80, v2, vm1, $0xb8;
	[tilespmem:$0x10400] =	vst v63  }
0xc2: {  	_ =	swait.ge [sflag:s13], $0x2000  }
0xc3: {  	[sflag:s13] =	ssyncset.done $0x0  }
0xc4: {  	s23 =	sadd.s32 $0x1000, s20;
	[sflag:s13] =	ssyncadd.s32 $0xFFFFE000  }
0xc5: {  	[hbm4b:s23+s3] =	stream.linear.scatter [tilespmem:s30], [sflag:$0xD], $0x2000, $0x38;
	[tilespmem:$0x10400] =	vst v63  }
0xc6: {  	_ =	swait.ge [sflag:s17], $0x2000  }
0xc7: {  	[sflag:s17] =	ssyncset.done $0x0  }
0xc8: {  	[sflag:s17] =	ssyncadd.s32 $0xFFFFE000  }
0xc9: {  	v2 =	vld.msk @!p0 [tilespmem:s15+$0x18], $0xff;
	_ =	sdelay $0x4  }
0xca: {  	v5 =	vshll.u32 @!p0 v2, $0x3  }
0xcb: {  	v2 =	vand.u32 @!p0 $0x7, v2;
	v5 =	vand.u32 @!p0 $0xFFFFFFC0, v5  }
0xcc: {  	v2 =	vor.u32 @!p0 v2, v5  }
0xcd: {  	v2 =	vperm.xlane @!p0 v2, v3;
	_ =	sdelay $0x1  }
0xce: {  	v2 =	vadd.s32 @!p0 v4, v2;
	_ =	sdelay $0x3  }
0xcf: {  	s23 =	simm.s32 @!p0 $0x2400  }
0xd0: {  	[tilespmem:s23], [sflag:$0x2] =	stream.indirect_vreg.gather @!p0 [hbm4b:s1+s22], $0x80, v2, vm1, $0xb8;
	[tilespmem:$0x10400] =	vst v63  }
0xd1: {  	s23 =	simm.s32 @!p0 $0x2C00  }
0xd2: {  	[tilespmem:s23], [sflag:$0x2] =	stream.indirect_vreg.gather @!p0 [hbm4b:s5+s22], $0x80, v2, vm1, $0xb8;
	[tilespmem:$0x10400] =	vst v63  }
0xd3: {  	s23 =	simm.s32 @!p0 $0x3400  }
0xd4: {  	[tilespmem:s23], [sflag:$0x2] =	stream.indirect_vreg.gather @!p0 [hbm4b:s6+s22], $0x80, v2, vm1, $0xb8;
	[tilespmem:$0x10400] =	vst v63  }
0xd5: {  	s23 =	simm.s32 @!p0 $0x3C00  }
0xd6: {  	[tilespmem:s23], [sflag:$0x2] =	stream.indirect_vreg.gather @!p0 [hbm4b:s7+s22], $0x80, v2, vm1, $0xb8;
	[tilespmem:$0x10400] =	vst v63  }
0xd7: {  	_ =	swait.ge [sflag:s31], $0x2000  }
0xd8: {  	[sflag:s31] =	ssyncset.done $0x0  }
0xd9: {  	s23 =	sadd.s32 $0x1400, s20;
	[sflag:s31] =	ssyncadd.s32 $0xFFFFE000  }
0xda: {  	[hbm4b:s23+s3] =	stream.linear.scatter [tilespmem:s11], [sflag:$0xE], $0x2000, $0x38;
	[tilespmem:$0x10400] =	vst v63  }
0xdb: {  	_ =	swait.ge [sflag:s0], $0x2000  }
0xdc: {  	[sflag:s0] =	ssyncset.done $0x0  }
0xdd: {  	[sflag:s0] =	ssyncadd.s32 $0xFFFFE000  }
0xde: {  	v2 =	vld.msk @!p0 [tilespmem:s15+$0x20], $0xff;
	_ =	sdelay $0x4  }
0xdf: {  	v5 =	vshll.u32 @!p0 v2, $0x3  }
0xe0: {  	v2 =	vand.u32 @!p0 $0x7, v2;
	v5 =	vand.u32 @!p0 $0xFFFFFFC0, v5  }
0xe1: {  	v2 =	vor.u32 @!p0 v2, v5  }
0xe2: {  	v2 =	vperm.xlane @!p0 v2, v3;
	_ =	sdelay $0x1  }
0xe3: {  	v2 =	vadd.s32 @!p0 v4, v2;
	_ =	sdelay $0x3  }
0xe4: {  	s23 =	simm.s32 @!p0 $0x4400  }
0xe5: {  	[tilespmem:s23], [sflag:$0x3] =	stream.indirect_vreg.gather @!p0 [hbm4b:s1+s22], $0x80, v2, vm1, $0xb8;
	[tilespmem:$0x10400] =	vst v63  }
0xe6: {  	s23 =	simm.s32 @!p0 $0x4C00  }
0xe7: {  	[tilespmem:s23], [sflag:$0x3] =	stream.indirect_vreg.gather @!p0 [hbm4b:s5+s22], $0x80, v2, vm1, $0xb8;
	[tilespmem:$0x10400] =	vst v63  }
0xe8: {  	s23 =	simm.s32 @!p0 $0x5400  }
0xe9: {  	[tilespmem:s23], [sflag:$0x3] =	stream.indirect_vreg.gather @!p0 [hbm4b:s6+s22], $0x80, v2, vm1, $0xb8;
	[tilespmem:$0x10400] =	vst v63  }
0xea: {  	s23 =	simm.s32 @!p0 $0x5C00  }
0xeb: {  	[tilespmem:s23], [sflag:$0x3] =	stream.indirect_vreg.gather @!p0 [hbm4b:s7+s22], $0x80, v2, vm1, $0xb8;
	[tilespmem:$0x10400] =	vst v63  }
0xec: {  	_ =	swait.ge [sflag:s21], $0x2000  }
0xed: {  	[sflag:s21] =	ssyncset.done $0x0  }
0xee: {  	s23 =	sadd.s32 $0x1800, s20;
	[sflag:s21] =	ssyncadd.s32 $0xFFFFE000  }
0xef: {  	[hbm4b:s23+s3] =	stream.linear.scatter [tilespmem:s19], [sflag:$0xF], $0x2000, $0x38;
	[tilespmem:$0x10400] =	vst v63  }
0xf0: {  	_ =	swait.ge [sflag:s2], $0x2000  }
0xf1: {  	[sflag:s2] =	ssyncset.done $0x0  }
0xf2: {  	[sflag:s2] =	ssyncadd.s32 $0xFFFFE000  }
0xf3: {  	v2 =	vld.msk @!p0 [tilespmem:s15+$0x28], $0xff;
	_ =	sdelay $0x4  }
0xf4: {  	v5 =	vshll.u32 @!p0 v2, $0x3  }
0xf5: {  	v2 =	vand.u32 @!p0 $0x7, v2;
	v5 =	vand.u32 @!p0 $0xFFFFFFC0, v5  }
0xf6: {  	v2 =	vor.u32 @!p0 v2, v5  }
0xf7: {  	v2 =	vperm.xlane @!p0 v2, v3;
	_ =	sdelay $0x1  }
0xf8: {  	v2 =	vadd.s32 @!p0 v4, v2;
	_ =	sdelay $0x3  }
0xf9: {  	s23 =	simm.s32 @!p0 $0x6400  }
0xfa: {  	[tilespmem:s23], [sflag:$0x4] =	stream.indirect_vreg.gather @!p0 [hbm4b:s1+s22], $0x80, v2, vm1, $0xb8;
	[tilespmem:$0x10400] =	vst v63  }
0xfb: {  	s23 =	simm.s32 @!p0 $0x6C00  }
0xfc: {  	[tilespmem:s23], [sflag:$0x4] =	stream.indirect_vreg.gather @!p0 [hbm4b:s5+s22], $0x80, v2, vm1, $0xb8;
	[tilespmem:$0x10400] =	vst v63  }
0xfd: {  	s23 =	simm.s32 @!p0 $0x7400  }
0xfe: {  	[tilespmem:s23], [sflag:$0x4] =	stream.indirect_vreg.gather @!p0 [hbm4b:s6+s22], $0x80, v2, vm1, $0xb8;
	[tilespmem:$0x10400] =	vst v63  }
0xff: {  	s23 =	simm.s32 @!p0 $0x7C00  }
0x100: {  	[tilespmem:s23], [sflag:$0x4] =	stream.indirect_vreg.gather @!p0 [hbm4b:s7+s22], $0x80, v2, vm1, $0xb8;
	[tilespmem:$0x10400] =	vst v63  }
0x101: {  	_ =	swait.ge [sflag:s25], $0x2000  }
0x102: {  	[sflag:s25] =	ssyncset.done $0x0  }
.Ltmp2:
0x103: {  	s20 =	sadd.s32 $0x1C00, s20;
	[sflag:s25] =	ssyncadd.s32 $0xFFFFE000;
	(pc) =	sbr.rel @p0 .LBB2_4-.Ltmp2, $4  }
0x104: {  	[hbm4b:s20+s3] =	stream.linear.scatter [tilespmem:s26], [sflag:$0x10], $0x2000, $0x38;
	[tilespmem:$0x10400] =	vst v63  }
0x105: {  	_ =	swait.ge [sflag:s14], $0x2000  }
0x106: {  	[sflag:s14] =	ssyncset.done $0x0  }
0x107: {  	[sflag:s14] =	ssyncadd.s32 $0xFFFFE000  }
0x108: {  	v2 =	vld.msk [tilespmem:s15+$0x30], $0xff;
	_ =	sdelay $0x4  }
0x109: {  	v3 =	vshll.u32 v2, $0x3  }
0x10a: {  	v2 =	vand.u32 $0x7, v2;
	v3 =	vand.u32 $0xFFFFFFC0, v3  }
0x10b: {  	v2 =	vor.u32 v2, v3  }
0x10c: {  	v2 =	vperm.xlane v2, v0;
	_ =	sdelay $0x1  }
0x10d: {  	v2 =	vadd.s32 v1, v2;
	_ =	sdelay $0x4  }
0x10e: {  	[tilespmem:s30], [sflag:$0x5] =	stream.indirect_vreg.gather [hbm4b:s1+s3], $0x80, v2, vm0, $0xb8;
	[tilespmem:$0x10400] =	vst v63  }
0x10f: {  	s20 =	simm.s32 $0x8C00  }
0x110: {  	[tilespmem:s20], [sflag:$0x5] =	stream.indirect_vreg.gather [hbm4b:s5+s3], $0x80, v2, vm0, $0xb8;
	[tilespmem:$0x10400] =	vst v63  }
.Ltmp3:
0x111: {  	_ = 	snop;
	(pc) =	sbr.rel .LBB2_2-.Ltmp3, $4  }
0x112: {  	s22 =	simm.s32 $0x9400  }
0x113: {  	[tilespmem:s22], [sflag:$0x5] =	stream.indirect_vreg.gather [hbm4b:s6+s3], $0x80, v2, vm0, $0xb8;
	[tilespmem:$0x10400] =	vst v63  }
0x114: {  	s23 =	simm.s32 $0x9C00;
	s16 =	sadd.s32 $0x2000, s16;
	s15 =	sadd.s32 $0x40, s15  }
0x115: {  	[tilespmem:s23], [sflag:$0x5] =	stream.indirect_vreg.gather [hbm4b:s7+s3], $0x80, v2, vm0, $0xb8;
	[tilespmem:$0x10400] =	vst v63  }
.LBB2_5:
0x116: {  	_ =	sfence.sel $0x180000  }
0x117: {  	[bflag:$0x0] =	sbarrier.arrive $0xFFFF  }
0x118: {  	_ =	strace $0x90000047  }
0x119: {  	s0 =	stileid.u32;
	[bflag:$0x2] =	sbarrier.arrive $0xFFFF  }
0x11a: {  	p0 =	sne.s32 s0, $0x0;
	s0 =	rddreg [dreg:$0x3]  }
0x11b: {  	s0 =	sadd.s32 @!p0 $0x100000, s0  }
0x11c: {  	[sflag:s0] =	ssyncadd.tile.s32 @!p0 $0x1;
	_ =	shalt  }
.Lfunc_end2:
_tile_overlayer_lowered:
.L_overlay_start_2:
0x11d: {  	(tag) =	ssettag $0x2  }
0x11e: {  	s0 =	rddreg [dreg:$0x0];
	s2 =	stileid.u32  }
0x11f: {  	s1 =	rddreg [dreg:$0x1];
	p0 =	sne.s32 s2, $0x0  }
0x120: {  	s3 =	rddreg [dreg:$0x2];
	[bflag:$0x3] =	sbarrier.arrive $0xFFFF;
	s2 =	simm.s32 @!p0 $0x1C11  }
0x121: {  	[timem:s3], [sflag:s2] =	dma.local @!p0 [hbm:s0], s1  }
0x122: {  	s0 =	simm.s32 @!p0 $0x11  }
0x123: {  	_ =	swait.ge @!p0 [sflag:s0], s1  }
0x124: {  	s1 =	ssub.s32 @!p0 $0x0, s1;
	[sflag:s0] =	ssyncset.done @!p0 $0x0  }
0x125: {  	[sflag:s0] =	ssyncadd.s32 @!p0 s1  }
0x126: {  	[bflag:$0x3] =	sbarrier.arrive $0xFFFF  }
0x127: {  	_ =	shalt  }

</sc_bundles>
